<compile_context>
chip_gen: v7x
topology: tpu7x:2x2x1
jax: 0.10.2.dev20260603
libtpu: 0.0.44.dev20260713+nightly
codegen_flags: <defaults>
</compile_context>

<pallas_src>
import functools

import jax
import jax.numpy as jnp
from jax import lax
from jax.experimental import pallas as pl
from jax.experimental.pallas import tpu as pltpu
from jax.experimental.pallas import tpu_sc as plsc

B, N, C, H = 4, 8192, 768, 12
HD = C // H
K = max(1, min(N, int(0.1 * N)))
KP = ((K + 63) // 64) * 64
TOT = B * KP
NC, NS = 2, 16
NW = NC * NS
PER_W = TOT // NW
ROWS_W = (B * N) // NW
CCH = 64
NCH = ROWS_W // CCH
NB = 1024
_VMEM_LIM = 128 * 1024 * 1024


def _ln(t):
    mu = jnp.mean(t, axis=-1, keepdims=True)
    var = jnp.mean((t - mu) ** 2, axis=-1, keepdims=True)
    return (t - mu) / jnp.sqrt(var + 1e-6)


def _gelu_tanh(t):
    return 0.5 * t * (1.0 + jnp.tanh(jnp.sqrt(2.0 / jnp.pi) * (t + 0.044715 * t ** 3)))


def _k1_body(x_ref, wr_ref, tw_ref):
    tw_ref[0] = jnp.dot(x_ref[0], wr_ref[...], preferred_element_type=jnp.float32)


def _router(x, w_router):
    return pl.pallas_call(
        _k1_body,
        grid=(B, N // NB),
        in_specs=[
            pl.BlockSpec((1, NB, C), lambda b, n: (b, n, 0)),
            pl.BlockSpec((C, 1), lambda b, n: (0, 0)),
        ],
        out_specs=pl.BlockSpec((1, NB, 1), lambda b, n: (b, n, 0)),
        out_shape=jax.ShapeDtypeStruct((B, N, 1), jnp.float32),
    )(x, w_router)


def _d1_body(tx_ref, c_ref, wa_ref, ba_ref, wq_ref, bq_ref, qkv_ref, ada_ref):
    cb = c_ref[0]
    silu = cb * jax.nn.sigmoid(cb)
    ada = jnp.dot(silu, wa_ref[...], preferred_element_type=jnp.float32) + ba_ref[...]
    shift = ada[:, 0:C]
    scale = ada[:, C:2 * C]
    tx = tx_ref[0]
    h = _ln(tx) * (1.0 + scale) + shift
    qkv_ref[0] = jnp.dot(h, wq_ref[...], preferred_element_type=jnp.float32) + bq_ref[...]
    ada_ref[0] = ada


def _qkv(topk_x, c, w_ada, b_ada, w_qkv, b_qkv):
    return pl.pallas_call(
        _d1_body,
        grid=(B,),
        in_specs=[
            pl.BlockSpec((1, KP, C), lambda b: (b, 0, 0)),
            pl.BlockSpec((1, 1, C), lambda b: (b, 0, 0)),
            pl.BlockSpec((C, 6 * C), lambda b: (0, 0)),
            pl.BlockSpec((1, 6 * C), lambda b: (0, 0)),
            pl.BlockSpec((C, 3 * C), lambda b: (0, 0)),
            pl.BlockSpec((1, 3 * C), lambda b: (0, 0)),
        ],
        out_specs=[
            pl.BlockSpec((1, KP, 3 * C), lambda b: (b, 0, 0)),
            pl.BlockSpec((1, 1, 6 * C), lambda b: (b, 0, 0)),
        ],
        out_shape=[
            jax.ShapeDtypeStruct((B, KP, 3 * C), jnp.float32),
            jax.ShapeDtypeStruct((B, 1, 6 * C), jnp.float32),
        ],
        compiler_params=pltpu.CompilerParams(vmem_limit_bytes=_VMEM_LIM),
    )(topk_x, c, w_ada, b_ada.reshape(1, 6 * C), w_qkv, b_qkv.reshape(1, 3 * C))


def _d2_body(q_ref, k_ref, v_ref, o_ref):
    scale = HD ** -0.5
    outs = []
    for s in (0, HD):
        q = q_ref[0, :, s:s + HD] * scale
        k = k_ref[0, :, s:s + HD]
        v = v_ref[0, :, s:s + HD]
        st = lax.dot_general(q, k, (((1,), (1,)), ((), ())),
                             preferred_element_type=jnp.float32)
        col = lax.broadcasted_iota(jnp.int32, (KP, KP), 1)
        st = jnp.where(col < K, st, -1e30)
        m = jnp.max(st, axis=-1, keepdims=True)
        p = jnp.exp(st - m)
        p = p / jnp.sum(p, axis=-1, keepdims=True)
        outs.append(jnp.dot(p, v, preferred_element_type=jnp.float32))
    o_ref[0] = jnp.concatenate(outs, axis=1)


def _attention(qkv):
    blk = 2 * HD
    return pl.pallas_call(
        _d2_body,
        grid=(B, H // 2),
        in_specs=[
            pl.BlockSpec((1, KP, blk), lambda b, h: (b, 0, h)),
            pl.BlockSpec((1, KP, blk), lambda b, h: (b, 0, (C // blk) + h)),
            pl.BlockSpec((1, KP, blk), lambda b, h: (b, 0, 2 * (C // blk) + h)),
        ],
        out_specs=pl.BlockSpec((1, KP, blk), lambda b, h: (b, 0, h)),
        out_shape=jax.ShapeDtypeStruct((B, KP, C), jnp.float32),
        compiler_params=pltpu.CompilerParams(vmem_limit_bytes=_VMEM_LIM),
    )(qkv, qkv, qkv)


def _d3_body(tx_ref, o_ref, ada_ref, v_ref,
             wp_ref, bp_ref, w1_ref, b1_ref, w2_ref, b2_ref, out_ref):
    ada = ada_ref[0]
    gm = ada[:, 2 * C:3 * C]
    shm = ada[:, 3 * C:4 * C]
    scm = ada[:, 4 * C:5 * C]
    gl = ada[:, 5 * C:6 * C]
    tx = tx_ref[0]
    t2 = tx + gm * (
        jnp.dot(o_ref[0], wp_ref[...], preferred_element_type=jnp.float32) + bp_ref[...])
    h2 = _ln(t2) * (1.0 + scm) + shm
    hid = _gelu_tanh(jnp.dot(h2, w1_ref[...], preferred_element_type=jnp.float32) + b1_ref[...])
    m = jnp.dot(hid, w2_ref[...], preferred_element_type=jnp.float32) + b2_ref[...]
    w = jax.nn.sigmoid(v_ref[0])
    out_ref[0] = t2 + w * (gl * m)


def _mlp(topk_x, o, ada, vals, w_proj, b_proj, w_fc1, b_fc1, w_fc2, b_fc2):
    return pl.pallas_call(
        _d3_body,
        grid=(B,),
        in_specs=[
            pl.BlockSpec((1, KP, C), lambda b: (b, 0, 0)),
            pl.BlockSpec((1, KP, C), lambda b: (b, 0, 0)),
            pl.BlockSpec((1, 1, 6 * C), lambda b: (b, 0, 0)),
            pl.BlockSpec((1, KP, 1), lambda b: (b, 0, 0)),
            pl.BlockSpec((C, C), lambda b: (0, 0)),
            pl.BlockSpec((1, C), lambda b: (0, 0)),
            pl.BlockSpec((C, 4 * C), lambda b: (0, 0)),
            pl.BlockSpec((1, 4 * C), lambda b: (0, 0)),
            pl.BlockSpec((4 * C, C), lambda b: (0, 0)),
            pl.BlockSpec((1, C), lambda b: (0, 0)),
        ],
        out_specs=pl.BlockSpec((1, KP, C), lambda b: (b, 0, 0)),
        out_shape=jax.ShapeDtypeStruct((B, KP, C), jnp.float32),
        compiler_params=pltpu.CompilerParams(vmem_limit_bytes=_VMEM_LIM),
    )(topk_x, o, ada, vals, w_proj, b_proj.reshape(1, C), w_fc1,
      b_fc1.reshape(1, 4 * C), w_fc2, b_fc2.reshape(1, C))


@functools.lru_cache(maxsize=1)
def _sc_kernels():
    mesh = plsc.VectorSubcoreMesh(
        core_axis_name="c", subcore_axis_name="s",
        num_cores=NC, num_subcores=NS)
    idx_scratch = [
        pltpu.VMEM((PER_W,), jnp.int32),
        pltpu.VMEM((PER_W, C), jnp.float32),
        pltpu.SemaphoreType.DMA,
    ]

    @functools.partial(
        pl.kernel,
        out_type=jax.ShapeDtypeStruct((TOT, C), jnp.float32),
        mesh=mesh,
        scratch_types=idx_scratch,
    )
    def gather(table_hbm, idx_hbm, out_hbm, idx_v, rows_v, sem):
        wid = lax.axis_index("s") * NC + lax.axis_index("c")
        base = wid * PER_W
        pltpu.sync_copy(idx_hbm.at[pl.ds(base, PER_W)], idx_v)
        pltpu.async_copy(table_hbm.at[idx_v], rows_v, sem).wait()
        pltpu.sync_copy(rows_v, out_hbm.at[pl.ds(base, PER_W)])

    @functools.partial(pl.kernel, out_type=(), mesh=mesh, scratch_types=idx_scratch)
    def scatter(rows_hbm, idx_hbm, dst_ref, idx_v, rows_v, sem):
        wid = lax.axis_index("s") * NC + lax.axis_index("c")
        base = wid * PER_W
        pltpu.sync_copy(idx_hbm.at[pl.ds(base, PER_W)], idx_v)
        pltpu.sync_copy(rows_hbm.at[pl.ds(base, PER_W)], rows_v)
        pltpu.async_copy(rows_v, dst_ref.at[idx_v], sem).wait()

    @functools.partial(
        pl.kernel,
        out_type=jax.ShapeDtypeStruct((B * N, C), jnp.float32),
        mesh=mesh,
        scratch_types=[
            pltpu.VMEM((CCH, C), jnp.float32),
            pltpu.VMEM((CCH, C), jnp.float32),
            pltpu.SemaphoreType.DMA,
            pltpu.SemaphoreType.DMA,
            pltpu.SemaphoreType.DMA,
            pltpu.SemaphoreType.DMA,
        ],
    )
    def copy(src_hbm, dst_hbm, b0, b1, si0, si1, so0, so1):
        wid = lax.axis_index("s") * NC + lax.axis_index("c")
        base = wid * ROWS_W
        bufs = (b0, b1)
        sin = (si0, si1)
        sout = (so0, so1)
        ins = {}
        outs = {}

        def start_in(i):
            ins[i] = pltpu.async_copy(
                src_hbm.at[pl.ds(base + i * CCH, CCH)], bufs[i % 2], sin[i % 2])

        start_in(0)
        for i in range(NCH):
            if i + 1 < NCH:
                if i >= 1:
                    outs[i - 1].wait()
                start_in(i + 1)
            ins[i].wait()
            outs[i] = pltpu.async_copy(
                bufs[i % 2], dst_hbm.at[pl.ds(base + i * CCH, CCH)], sout[i % 2])
        outs[NCH - 2].wait()
        outs[NCH - 1].wait()

    return gather, scatter, copy


def _sc_gather(table, gidx):
    return _sc_kernels()[0](table, gidx)


def _sc_scatter(rows, gidx, dst_ref):
    _sc_kernels()[1](rows, gidx, dst_ref)


def _sc_copy(src):
    return _sc_kernels()[2](src)


def kernel(x, c, w_router, w_ada, b_ada, w_qkv, b_qkv, w_proj, b_proj,
           w_fc1, b_fc1, w_fc2, b_fc2, activate_mod_router):
    tw = _router(x, w_router)[..., 0]
    vals, idx = lax.top_k(tw, K)
    pad = KP - K
    idx_p = jnp.concatenate([idx, jnp.broadcast_to(idx[:, -1:], (B, pad))], axis=1)
    vals_p = jnp.concatenate([vals, jnp.broadcast_to(vals[:, -1:], (B, pad))], axis=1)
    gidx = (idx_p + (jnp.arange(B, dtype=jnp.int32) * N)[:, None]).reshape(TOT)

    x_flat = x.reshape(B * N, C)
    rows = _sc_gather(x_flat, gidx)
    cp = _sc_copy(x_flat)
    topk_x = rows.reshape(B, KP, C)

    qkv, ada = _qkv(topk_x, c.reshape(B, 1, C), w_ada, b_ada, w_qkv, b_qkv)
    o = _attention(qkv)
    out_rows = _mlp(topk_x, o, ada, vals_p.reshape(B, KP, 1),
                    w_proj, b_proj, w_fc1, b_fc1, w_fc2, b_fc2)

    buf = jax.new_ref(cp)
    _sc_scatter(out_rows.reshape(TOT, C), gidx, buf)
    return buf[...].reshape(B, N, C)

# --- scband reference (transcript-rebuilt; emitter-appended) ---
"""Pipeline reference for scband-di-t-1924145348877 (READ-ONLY COPY).

The authoritative reference and input builder live on the scoring server;
editing this copy changes nothing except your own understanding.
"""

import jax, jax.numpy as jnp
import numpy as np

B, N, C, H = 4, 8192, 768, 12
HD = C // H
MOD_RATIO = 0.1
MLPH = int(C * 4.0)


def _ln(t):
    mu = jnp.mean(t, axis=-1, keepdims=True)
    var = jnp.mean((t - mu) ** 2, axis=-1, keepdims=True)
    return (t - mu) / jnp.sqrt(var + 1e-6)


def _gelu_tanh(t):
    return 0.5 * t * (1.0 + jnp.tanh(jnp.sqrt(2.0 / jnp.pi) * (t + 0.044715 * t ** 3)))


def _modulate(t, shift, scale):
    return t * (1.0 + scale[:, None, :]) + shift[:, None, :]


def setup_inputs(seed: int = 0):
    key = jax.random.key(seed)
    ks = jax.random.split(key, 16)
    s = 0.02
    return {
        "x": jax.random.normal(ks[0], (B, N, C), dtype=jnp.float32),
        "c": jax.random.normal(ks[1], (B, C), dtype=jnp.float32),
        "w_router": jax.random.normal(ks[2], (C, 1), dtype=jnp.float32) * s,
        "w_ada": jax.random.normal(ks[3], (C, 6 * C), dtype=jnp.float32) * s,
        "b_ada": jnp.zeros((6 * C,), dtype=jnp.float32),
        "w_qkv": jax.random.normal(ks[4], (C, 3 * C), dtype=jnp.float32) * s,
        "b_qkv": jnp.zeros((3 * C,), dtype=jnp.float32),
        "w_proj": jax.random.normal(ks[5], (C, C), dtype=jnp.float32) * s,
        "b_proj": jnp.zeros((C,), dtype=jnp.float32),
        "w_fc1": jax.random.normal(ks[6], (C, MLPH), dtype=jnp.float32) * s,
        "b_fc1": jnp.zeros((MLPH,), dtype=jnp.float32),
        "w_fc2": jax.random.normal(ks[7], (MLPH, C), dtype=jnp.float32) * s,
        "b_fc2": jnp.zeros((C,), dtype=jnp.float32),
        "activate_mod_router": 1,
    }


def reference(x, c, w_router, w_ada, b_ada, w_qkv, b_qkv, w_proj, b_proj, w_fc1, b_fc1, w_fc2, b_fc2, activate_mod_router):
    Bs, Ns, Cs = x.shape
    kk = max(1, min(Ns, int(MOD_RATIO * Ns)))
    # token routing: router logits -> sigmoid -> topk
    tw = (x @ w_router)[..., 0]
    sw = jax.nn.sigmoid(tw)
    vals, idx = jax.lax.top_k(sw, kk)
    si = jnp.sort(idx, axis=1)
    order = jnp.argsort(idx, axis=1)
    w_sorted = jnp.take_along_axis(vals, order, axis=1)
    si3 = jnp.broadcast_to(si[:, :, None], (Bs, kk, Cs))
    topk_x = jnp.take_along_axis(x, si3, axis=1)
    bidx = jnp.arange(Bs)[:, None]
    remaining = x.at[bidx, si].set(0.0)
    # adaLN-Zero conditioning
    silu_c = c * jax.nn.sigmoid(c)
    ada = silu_c @ w_ada + b_ada
    shift_msa, scale_msa, gate_msa, shift_mlp, scale_mlp, gate_mlp = jnp.split(ada, 6, axis=1)
    # attention on kept tokens only
    h = _modulate(_ln(topk_x), shift_msa, scale_msa)
    qkv = (h @ w_qkv + b_qkv).reshape(Bs, kk, 3, H, HD).transpose(2, 0, 3, 1, 4)
    q, kmat, v = qkv[0], qkv[1], qkv[2]
    att = jax.nn.softmax((q * (HD ** -0.5)) @ kmat.transpose(0, 1, 3, 2), axis=-1)
    o = (att @ v).transpose(0, 2, 1, 3).reshape(Bs, kk, Cs)
    o = o @ w_proj + b_proj
    topk_x = topk_x + gate_msa[:, None, :] * o
    # MLP on kept tokens
    h2 = _modulate(_ln(topk_x), shift_mlp, scale_mlp)
    m = _gelu_tanh(h2 @ w_fc1 + b_fc1) @ w_fc2 + b_fc2
    out = gate_mlp[:, None, :] * m
    out = out * w_sorted[:, :, None]
    out = out + topk_x
    # scatter processed tokens back into the zeroed remainder
    final = remaining.at[bidx, si].add(out)
    return final

if __name__ == "__main__":
    import jax
    _d = setup_inputs()
    print(jax.jit(kernel)(*tuple(_d.values())))

</pallas_src>

<mosaic_0001>
#map = affine_map<(d0, d1) -> (0, 0)>
#map1 = affine_map<(d0, d1) -> (0)>
module attributes {stable_mosaic.version = 14 : i64} {
  func.func @new_body(%arg0: i32, %arg1: i32, %arg2: memref<3328x768xf32, #tpu.memory_space<hbm>>, %arg3: memref<3328xi32, #tpu.memory_space<hbm>>, %arg4: memref<32768x768xf32, #tpu.memory_space<hbm>>, %arg5: memref<32768x768xf32, #tpu.memory_space<hbm>>, %arg6: memref<104xi32, #tpu.memory_space<vmem>>, %arg7: memref<104x768xf32, #tpu.memory_space<vmem>>, %arg8: memref<!tpu.dma_semaphore, #tpu.memory_space<semaphore_mem>>) attributes {dimension_semantics = [#tpu.dimension_semantics<core_parallel>, #tpu.dimension_semantics<subcore_parallel>], iteration_bounds = array<i64: 2, 16>, scalar_prefetch = 0 : i64, scratch_operands = 3 : i64, tpu.core_type = #tpu.core_type<sc_vector_subcore>, window_params = [{transform_indices = #map}, {transform_indices = #map1}, {transform_indices = #map}, {transform_indices = #map}]} {
    %mul3A = arith.constant 2 : i32
    %mul3A_0 = arith.muli %arg1, %mul3A : i32
    %add3A = arith.addi %mul3A_0, %arg0 : i32
    %mul3A_1 = arith.constant 104 : i32
    %mul3A_2 = arith.muli %add3A, %mul3A_1 : i32
    "tpu.region"() ({
      %run_scoped3A = tpu.sem_alloc : memref<!tpu.dma_semaphore, #tpu.memory_space<semaphore_mem>>
      %dma_start3A_7 = tpu.memref_slice %arg3[%mul3A_2] : memref<3328xi32, #tpu.memory_space<hbm>> -> memref<104xi32, #tpu.memory_space<hbm>>
      %dma_start3A_8 = tpu.memref_slice %arg3[%mul3A_2] : memref<3328xi32, #tpu.memory_space<hbm>> -> memref<104xi32, #tpu.memory_space<hbm>>
      tpu.enqueue_dma source(%dma_start3A_8 : memref<104xi32, #tpu.memory_space<hbm>>) target(%arg6 : memref<104xi32, #tpu.memory_space<vmem>>) target_semaphore(%run_scoped3A : memref<!tpu.dma_semaphore, #tpu.memory_space<semaphore_mem>>)
      %dma_wait3A_9 = tpu.memref_slice %arg3[%mul3A_2] : memref<3328xi32, #tpu.memory_space<hbm>> -> memref<104xi32, #tpu.memory_space<hbm>>
      %dma_wait3A_10 = tpu.memref_slice %arg3[%mul3A_2] : memref<3328xi32, #tpu.memory_space<hbm>> -> memref<104xi32, #tpu.memory_space<hbm>>
      tpu.wait_dma2 semaphore(%run_scoped3A : memref<!tpu.dma_semaphore, #tpu.memory_space<semaphore_mem>>) src(%dma_wait3A_10 : memref<104xi32, #tpu.memory_space<hbm>>) dst(%arg6 : memref<104xi32, #tpu.memory_space<vmem>>)
      tpu.yield
    }) : () -> ()
    "tpu.region"() ({
      %run_scoped3A = tpu.sem_alloc : memref<!tpu.dma_semaphore, #tpu.memory_space<semaphore_mem>>
      %dma_start3A_7 = arith.constant 0 : i32
      %dma_start3A_8 = tpu.memref_slice %arg2[%mul3A_2, %dma_start3A_7] : memref<3328x768xf32, #tpu.memory_space<hbm>> -> memref<104x768xf32, #tpu.memory_space<hbm>>
      %dma_start3A_9 = arith.constant 0 : i32
      %dma_start3A_10 = tpu.memref_slice %arg2[%mul3A_2, %dma_start3A_9] : memref<3328x768xf32, #tpu.memory_space<hbm>> -> memref<104x768xf32, #tpu.memory_space<hbm>>
      tpu.enqueue_dma source(%dma_start3A_10 : memref<104x768xf32, #tpu.memory_space<hbm>>) target(%arg7 : memref<104x768xf32, #tpu.memory_space<vmem>>) target_semaphore(%run_scoped3A : memref<!tpu.dma_semaphore, #tpu.memory_space<semaphore_mem>>)
      %dma_wait3A_11 = arith.constant 0 : i32
      %dma_wait3A_12 = tpu.memref_slice %arg2[%mul3A_2, %dma_wait3A_11] : memref<3328x768xf32, #tpu.memory_space<hbm>> -> memref<104x768xf32, #tpu.memory_space<hbm>>
      %dma_wait3A_13 = arith.constant 0 : i32
      %dma_wait3A_14 = tpu.memref_slice %arg2[%mul3A_2, %dma_wait3A_13] : memref<3328x768xf32, #tpu.memory_space<hbm>> -> memref<104x768xf32, #tpu.memory_space<hbm>>
      tpu.wait_dma2 semaphore(%run_scoped3A : memref<!tpu.dma_semaphore, #tpu.memory_space<semaphore_mem>>) src(%dma_wait3A_14 : memref<104x768xf32, #tpu.memory_space<hbm>>) dst(%arg7 : memref<104x768xf32, #tpu.memory_space<vmem>>)
      tpu.yield
    }) : () -> ()
    %dma_start3A = arith.constant 0 : i32
    %dma_start3A_3 = arith.constant 0 : i32
    %dma_start3A_4 = tpu.memref_slice %arg4[%dma_start3A, %dma_start3A_3] : memref<32768x768xf32, #tpu.memory_space<hbm>> -> memref<32768x768xf32, #tpu.memory_space<hbm>>
    tpu.enqueue_indirect_dma source(%arg7 : memref<104x768xf32, #tpu.memory_space<vmem>>) target(%dma_start3A_4 : memref<32768x768xf32, #tpu.memory_space<hbm>>) offsets(%arg6 : memref<104xi32, #tpu.memory_space<vmem>>) semaphore(%arg8 : memref<!tpu.dma_semaphore, #tpu.memory_space<semaphore_mem>>)
    %dma_wait3A = arith.constant 0 : i32
    %dma_wait3A_5 = arith.constant 0 : i32
    %dma_wait3A_6 = tpu.memref_slice %arg4[%dma_wait3A, %dma_wait3A_5] : memref<32768x768xf32, #tpu.memory_space<hbm>> -> memref<32768x768xf32, #tpu.memory_space<hbm>>
    tpu.wait_indirect_dma semaphore(%arg8 : memref<!tpu.dma_semaphore, #tpu.memory_space<semaphore_mem>>) src(%arg7 : memref<104x768xf32, #tpu.memory_space<vmem>>) dst(%dma_wait3A_6 : memref<32768x768xf32, #tpu.memory_space<hbm>>)
    return
  }
}

#map = affine_map<(d0, d1) -> (0, 0)>
#map1 = affine_map<(d0, d1) -> (0)>
module attributes {stable_mosaic.version = 14 : i64} {
  func.func @gather(%arg0: i32, %arg1: i32, %arg2: memref<32768x768xf32, #tpu.memory_space<hbm>>, %arg3: memref<3328xi32, #tpu.memory_space<hbm>>, %arg4: memref<3328x768xf32, #tpu.memory_space<hbm>>, %arg5: memref<104xi32, #tpu.memory_space<vmem>>, %arg6: memref<104x768xf32, #tpu.memory_space<vmem>>, %arg7: memref<!tpu.dma_semaphore, #tpu.memory_space<semaphore_mem>>) attributes {dimension_semantics = [#tpu.dimension_semantics<core_parallel>, #tpu.dimension_semantics<subcore_parallel>], iteration_bounds = array<i64: 2, 16>, scalar_prefetch = 0 : i64, scratch_operands = 3 : i64, tpu.core_type = #tpu.core_type<sc_vector_subcore>, window_params = [{transform_indices = #map}, {transform_indices = #map1}, {transform_indices = #map}]} {
    %mul3A = arith.constant 2 : i32
    %mul3A_0 = arith.muli %arg1, %mul3A : i32
    %add3A = arith.addi %mul3A_0, %arg0 : i32
    %mul3A_1 = arith.constant 104 : i32
    %mul3A_2 = arith.muli %add3A, %mul3A_1 : i32
    "tpu.region"() ({
      %run_scoped3A = tpu.sem_alloc : memref<!tpu.dma_semaphore, #tpu.memory_space<semaphore_mem>>
      %dma_start3A_7 = tpu.memref_slice %arg3[%mul3A_2] : memref<3328xi32, #tpu.memory_space<hbm>> -> memref<104xi32, #tpu.memory_space<hbm>>
      %dma_start3A_8 = tpu.memref_slice %arg3[%mul3A_2] : memref<3328xi32, #tpu.memory_space<hbm>> -> memref<104xi32, #tpu.memory_space<hbm>>
      tpu.enqueue_dma source(%dma_start3A_8 : memref<104xi32, #tpu.memory_space<hbm>>) target(%arg5 : memref<104xi32, #tpu.memory_space<vmem>>) target_semaphore(%run_scoped3A : memref<!tpu.dma_semaphore, #tpu.memory_space<semaphore_mem>>)
      %dma_wait3A_9 = tpu.memref_slice %arg3[%mul3A_2] : memref<3328xi32, #tpu.memory_space<hbm>> -> memref<104xi32, #tpu.memory_space<hbm>>
      %dma_wait3A_10 = tpu.memref_slice %arg3[%mul3A_2] : memref<3328xi32, #tpu.memory_space<hbm>> -> memref<104xi32, #tpu.memory_space<hbm>>
      tpu.wait_dma2 semaphore(%run_scoped3A : memref<!tpu.dma_semaphore, #tpu.memory_space<semaphore_mem>>) src(%dma_wait3A_10 : memref<104xi32, #tpu.memory_space<hbm>>) dst(%arg5 : memref<104xi32, #tpu.memory_space<vmem>>)
      tpu.yield
    }) : () -> ()
    %dma_start3A = arith.constant 0 : i32
    %dma_start3A_3 = arith.constant 0 : i32
    %dma_start3A_4 = tpu.memref_slice %arg2[%dma_start3A, %dma_start3A_3] : memref<32768x768xf32, #tpu.memory_space<hbm>> -> memref<32768x768xf32, #tpu.memory_space<hbm>>
    tpu.enqueue_indirect_dma source(%dma_start3A_4 : memref<32768x768xf32, #tpu.memory_space<hbm>>) target(%arg6 : memref<104x768xf32, #tpu.memory_space<vmem>>) offsets(%arg5 : memref<104xi32, #tpu.memory_space<vmem>>) semaphore(%arg7 : memref<!tpu.dma_semaphore, #tpu.memory_space<semaphore_mem>>)
    %dma_wait3A = arith.constant 0 : i32
    %dma_wait3A_5 = arith.constant 0 : i32
    %dma_wait3A_6 = tpu.memref_slice %arg2[%dma_wait3A, %dma_wait3A_5] : memref<32768x768xf32, #tpu.memory_space<hbm>> -> memref<32768x768xf32, #tpu.memory_space<hbm>>
    tpu.wait_indirect_dma semaphore(%arg7 : memref<!tpu.dma_semaphore, #tpu.memory_space<semaphore_mem>>) src(%dma_wait3A_6 : memref<32768x768xf32, #tpu.memory_space<hbm>>) dst(%arg6 : memref<104x768xf32, #tpu.memory_space<vmem>>)
    "tpu.region"() ({
      %run_scoped3A = tpu.sem_alloc : memref<!tpu.dma_semaphore, #tpu.memory_space<semaphore_mem>>
      %dma_start3A_7 = arith.constant 0 : i32
      %dma_start3A_8 = tpu.memref_slice %arg4[%mul3A_2, %dma_start3A_7] : memref<3328x768xf32, #tpu.memory_space<hbm>> -> memref<104x768xf32, #tpu.memory_space<hbm>>
      %dma_start3A_9 = arith.constant 0 : i32
      %dma_start3A_10 = tpu.memref_slice %arg4[%mul3A_2, %dma_start3A_9] : memref<3328x768xf32, #tpu.memory_space<hbm>> -> memref<104x768xf32, #tpu.memory_space<hbm>>
      tpu.enqueue_dma source(%arg6 : memref<104x768xf32, #tpu.memory_space<vmem>>) target(%dma_start3A_10 : memref<104x768xf32, #tpu.memory_space<hbm>>) target_semaphore(%run_scoped3A : memref<!tpu.dma_semaphore, #tpu.memory_space<semaphore_mem>>)
      %dma_wait3A_11 = arith.constant 0 : i32
      %dma_wait3A_12 = tpu.memref_slice %arg4[%mul3A_2, %dma_wait3A_11] : memref<3328x768xf32, #tpu.memory_space<hbm>> -> memref<104x768xf32, #tpu.memory_space<hbm>>
      %dma_wait3A_13 = arith.constant 0 : i32
      %dma_wait3A_14 = tpu.memref_slice %arg4[%mul3A_2, %dma_wait3A_13] : memref<3328x768xf32, #tpu.memory_space<hbm>> -> memref<104x768xf32, #tpu.memory_space<hbm>>
      tpu.wait_dma2 semaphore(%run_scoped3A : memref<!tpu.dma_semaphore, #tpu.memory_space<semaphore_mem>>) src(%arg6 : memref<104x768xf32, #tpu.memory_space<vmem>>) dst(%dma_wait3A_14 : memref<104x768xf32, #tpu.memory_space<hbm>>)
      tpu.yield
    }) : () -> ()
    return
  }
}

#map = affine_map<(d0, d1) -> (0, 0)>
module attributes {stable_mosaic.version = 14 : i64} {
  func.func @copy(%arg0: i32, %arg1: i32, %arg2: memref<32768x768xf32, #tpu.memory_space<hbm>>, %arg3: memref<32768x768xf32, #tpu.memory_space<hbm>>, %arg4: memref<64x768xf32, #tpu.memory_space<vmem>>, %arg5: memref<64x768xf32, #tpu.memory_space<vmem>>, %arg6: memref<!tpu.dma_semaphore, #tpu.memory_space<semaphore_mem>>, %arg7: memref<!tpu.dma_semaphore, #tpu.memory_space<semaphore_mem>>, %arg8: memref<!tpu.dma_semaphore, #tpu.memory_space<semaphore_mem>>, %arg9: memref<!tpu.dma_semaphore, #tpu.memory_space<semaphore_mem>>) attributes {dimension_semantics = [#tpu.dimension_semantics<core_parallel>, #tpu.dimension_semantics<subcore_parallel>], iteration_bounds = array<i64: 2, 16>, scalar_prefetch = 0 : i64, scratch_operands = 6 : i64, tpu.core_type = #tpu.core_type<sc_vector_subcore>, window_params = [{transform_indices = #map}, {transform_indices = #map}]} {
    %mul3A = arith.constant 2 : i32
    %mul3A_0 = arith.muli %arg1, %mul3A : i32
    %add3A = arith.addi %mul3A_0, %arg0 : i32
    %mul3A_1 = arith.constant 1024 : i32
    %mul3A_2 = arith.muli %add3A, %mul3A_1 : i32
    %add3A_3 = arith.constant 0 : i32
    %add3A_4 = arith.addi %mul3A_2, %add3A_3 : i32
    %dma_start3A = arith.constant 0 : i32
    %dma_start3A_5 = tpu.memref_slice %arg2[%add3A_4, %dma_start3A] : memref<32768x768xf32, #tpu.memory_space<hbm>> -> memref<64x768xf32, #tpu.memory_space<hbm>>
    %dma_start3A_6 = arith.constant 0 : i32
    %dma_start3A_7 = tpu.memref_slice %arg2[%add3A_4, %dma_start3A_6] : memref<32768x768xf32, #tpu.memory_space<hbm>> -> memref<64x768xf32, #tpu.memory_space<hbm>>
    tpu.enqueue_dma source(%dma_start3A_7 : memref<64x768xf32, #tpu.memory_space<hbm>>) target(%arg4 : memref<64x768xf32, #tpu.memory_space<vmem>>) target_semaphore(%arg6 : memref<!tpu.dma_semaphore, #tpu.memory_space<semaphore_mem>>)
    %add3A_8 = arith.constant 64 : i32
    %add3A_9 = arith.addi %mul3A_2, %add3A_8 : i32
    %dma_start3A_10 = arith.constant 0 : i32
    %dma_start3A_11 = tpu.memref_slice %arg2[%add3A_9, %dma_start3A_10] : memref<32768x768xf32, #tpu.memory_space<hbm>> -> memref<64x768xf32, #tpu.memory_space<hbm>>
    %dma_start3A_12 = arith.constant 0 : i32
    %dma_start3A_13 = tpu.memref_slice %arg2[%add3A_9, %dma_start3A_12] : memref<32768x768xf32, #tpu.memory_space<hbm>> -> memref<64x768xf32, #tpu.memory_space<hbm>>
    tpu.enqueue_dma source(%dma_start3A_13 : memref<64x768xf32, #tpu.memory_space<hbm>>) target(%arg5 : memref<64x768xf32, #tpu.memory_space<vmem>>) target_semaphore(%arg7 : memref<!tpu.dma_semaphore, #tpu.memory_space<semaphore_mem>>)
    %dma_wait3A = arith.constant 0 : i32
    %dma_wait3A_14 = tpu.memref_slice %arg2[%add3A_4, %dma_wait3A] : memref<32768x768xf32, #tpu.memory_space<hbm>> -> memref<64x768xf32, #tpu.memory_space<hbm>>
    %dma_wait3A_15 = arith.constant 0 : i32
    %dma_wait3A_16 = tpu.memref_slice %arg2[%add3A_4, %dma_wait3A_15] : memref<32768x768xf32, #tpu.memory_space<hbm>> -> memref<64x768xf32, #tpu.memory_space<hbm>>
    tpu.wait_dma2 semaphore(%arg6 : memref<!tpu.dma_semaphore, #tpu.memory_space<semaphore_mem>>) src(%dma_wait3A_16 : memref<64x768xf32, #tpu.memory_space<hbm>>) dst(%arg4 : memref<64x768xf32, #tpu.memory_space<vmem>>)
    %add3A_17 = arith.constant 0 : i32
    %add3A_18 = arith.addi %mul3A_2, %add3A_17 : i32
    %dma_start3A_19 = arith.constant 0 : i32
    %dma_start3A_20 = tpu.memref_slice %arg3[%add3A_18, %dma_start3A_19] : memref<32768x768xf32, #tpu.memory_space<hbm>> -> memref<64x768xf32, #tpu.memory_space<hbm>>
    %dma_start3A_21 = arith.constant 0 : i32
    %dma_start3A_22 = tpu.memref_slice %arg3[%add3A_18, %dma_start3A_21] : memref<32768x768xf32, #tpu.memory_space<hbm>> -> memref<64x768xf32, #tpu.memory_space<hbm>>
    tpu.enqueue_dma source(%arg4 : memref<64x768xf32, #tpu.memory_space<vmem>>) target(%dma_start3A_22 : memref<64x768xf32, #tpu.memory_space<hbm>>) target_semaphore(%arg8 : memref<!tpu.dma_semaphore, #tpu.memory_space<semaphore_mem>>)
    %dma_wait3A_23 = arith.constant 0 : i32
    %dma_wait3A_24 = tpu.memref_slice %arg3[%add3A_18, %dma_wait3A_23] : memref<32768x768xf32, #tpu.memory_space<hbm>> -> memref<64x768xf32, #tpu.memory_space<hbm>>
    %dma_wait3A_25 = arith.constant 0 : i32
    %dma_wait3A_26 = tpu.memref_slice %arg3[%add3A_18, %dma_wait3A_25] : memref<32768x768xf32, #tpu.memory_space<hbm>> -> memref<64x768xf32, #tpu.memory_space<hbm>>
    tpu.wait_dma2 semaphore(%arg8 : memref<!tpu.dma_semaphore, #tpu.memory_space<semaphore_mem>>) src(%arg4 : memref<64x768xf32, #tpu.memory_space<vmem>>) dst(%dma_wait3A_26 : memref<64x768xf32, #tpu.memory_space<hbm>>)
    %add3A_27 = arith.constant 128 : i32
    %add3A_28 = arith.addi %mul3A_2, %add3A_27 : i32
    %dma_start3A_29 = arith.constant 0 : i32
    %dma_start3A_30 = tpu.memref_slice %arg2[%add3A_28, %dma_start3A_29] : memref<32768x768xf32, #tpu.memory_space<hbm>> -> memref<64x768xf32, #tpu.memory_space<hbm>>
    %dma_start3A_31 = arith.constant 0 : i32
    %dma_start3A_32 = tpu.memref_slice %arg2[%add3A_28, %dma_start3A_31] : memref<32768x768xf32, #tpu.memory_space<hbm>> -> memref<64x768xf32, #tpu.memory_space<hbm>>
    tpu.enqueue_dma source(%dma_start3A_32 : memref<64x768xf32, #tpu.memory_space<hbm>>) target(%arg4 : memref<64x768xf32, #tpu.memory_space<vmem>>) target_semaphore(%arg6 : memref<!tpu.dma_semaphore, #tpu.memory_space<semaphore_mem>>)
    %dma_wait3A_33 = arith.constant 0 : i32
    %dma_wait3A_34 = tpu.memref_slice %arg2[%add3A_9, %dma_wait3A_33] : memref<32768x768xf32, #tpu.memory_space<hbm>> -> memref<64x768xf32, #tpu.memory_space<hbm>>
    %dma_wait3A_35 = arith.constant 0 : i32
    %dma_wait3A_36 = tpu.memref_slice %arg2[%add3A_9, %dma_wait3A_35] : memref<32768x768xf32, #tpu.memory_space<hbm>> -> memref<64x768xf32, #tpu.memory_space<hbm>>
    tpu.wait_dma2 semaphore(%arg7 : memref<!tpu.dma_semaphore, #tpu.memory_space<semaphore_mem>>) src(%dma_wait3A_36 : memref<64x768xf32, #tpu.memory_space<hbm>>) dst(%arg5 : memref<64x768xf32, #tpu.memory_space<vmem>>)
    %add3A_37 = arith.constant 64 : i32
    %add3A_38 = arith.addi %mul3A_2, %add3A_37 : i32
    %dma_start3A_39 = arith.constant 0 : i32
    %dma_start3A_40 = tpu.memref_slice %arg3[%add3A_38, %dma_start3A_39] : memref<32768x768xf32, #tpu.memory_space<hbm>> -> memref<64x768xf32, #tpu.memory_space<hbm>>
    %dma_start3A_41 = arith.constant 0 : i32
    %dma_start3A_42 = tpu.memref_slice %arg3[%add3A_38, %dma_start3A_41] : memref<32768x768xf32, #tpu.memory_space<hbm>> -> memref<64x768xf32, #tpu.memory_space<hbm>>
    tpu.enqueue_dma source(%arg5 : memref<64x768xf32, #tpu.memory_space<vmem>>) target(%dma_start3A_42 : memref<64x768xf32, #tpu.memory_space<hbm>>) target_semaphore(%arg9 : memref<!tpu.dma_semaphore, #tpu.memory_space<semaphore_mem>>)
    %dma_wait3A_43 = arith.constant 0 : i32
    %dma_wait3A_44 = tpu.memref_slice %arg3[%add3A_38, %dma_wait3A_43] : memref<32768x768xf32, #tpu.memory_space<hbm>> -> memref<64x768xf32, #tpu.memory_space<hbm>>
    %dma_wait3A_45 = arith.constant 0 : i32
    %dma_wait3A_46 = tpu.memref_slice %arg3[%add3A_38, %dma_wait3A_45] : memref<32768x768xf32, #tpu.memory_space<hbm>> -> memref<64x768xf32, #tpu.memory_space<hbm>>
    tpu.wait_dma2 semaphore(%arg9 : memref<!tpu.dma_semaphore, #tpu.memory_space<semaphore_mem>>) src(%arg5 : memref<64x768xf32, #tpu.memory_space<vmem>>) dst(%dma_wait3A_46 : memref<64x768xf32, #tpu.memory_space<hbm>>)
    %add3A_47 = arith.constant 192 : i32
    %add3A_48 = arith.addi %mul3A_2, %add3A_47 : i32
    %dma_start3A_49 = arith.constant 0 : i32
    %dma_start3A_50 = tpu.memref_slice %arg2[%add3A_48, %dma_start3A_49] : memref<32768x768xf32, #tpu.memory_space<hbm>> -> memref<64x768xf32, #tpu.memory_space<hbm>>
    %dma_start3A_51 = arith.constant 0 : i32
    %dma_start3A_52 = tpu.memref_slice %arg2[%add3A_48, %dma_start3A_51] : memref<32768x768xf32, #tpu.memory_space<hbm>> -> memref<64x768xf32, #tpu.memory_space<hbm>>
    tpu.enqueue_dma source(%dma_start3A_52 : memref<64x768xf32, #tpu.memory_space<hbm>>) target(%arg5 : memref<64x768xf32, #tpu.memory_space<vmem>>) target_semaphore(%arg7 : memref<!tpu.dma_semaphore, #tpu.memory_space<semaphore_mem>>)
    %dma_wait3A_53 = arith.constant 0 : i32
    %dma_wait3A_54 = tpu.memref_slice %arg2[%add3A_28, %dma_wait3A_53] : memref<32768x768xf32, #tpu.memory_space<hbm>> -> memref<64x768xf32, #tpu.memory_space<hbm>>
    %dma_wait3A_55 = arith.constant 0 : i32
    %dma_wait3A_56 = tpu.memref_slice %arg2[%add3A_28, %dma_wait3A_55] : memref<32768x768xf32, #tpu.memory_space<hbm>> -> memref<64x768xf32, #tpu.memory_space<hbm>>
    tpu.wait_dma2 semaphore(%arg6 : memref<!tpu.dma_semaphore, #tpu.memory_space<semaphore_mem>>) src(%dma_wait3A_56 : memref<64x768xf32, #tpu.memory_space<hbm>>) dst(%arg4 : memref<64x768xf32, #tpu.memory_space<vmem>>)
    %add3A_57 = arith.constant 128 : i32
    %add3A_58 = arith.addi %mul3A_2, %add3A_57 : i32
    %dma_start3A_59 = arith.constant 0 : i32
    %dma_start3A_60 = tpu.memref_slice %arg3[%add3A_58, %dma_start3A_59] : memref<32768x768xf32, #tpu.memory_space<hbm>> -> memref<64x768xf32, #tpu.memory_space<hbm>>
    %dma_start3A_61 = arith.constant 0 : i32
    %dma_start3A_62 = tpu.memref_slice %arg3[%add3A_58, %dma_start3A_61] : memref<32768x768xf32, #tpu.memory_space<hbm>> -> memref<64x768xf32, #tpu.memory_space<hbm>>
    tpu.enqueue_dma source(%arg4 : memref<64x768xf32, #tpu.memory_space<vmem>>) target(%dma_start3A_62 : memref<64x768xf32, #tpu.memory_space<hbm>>) target_semaphore(%arg8 : memref<!tpu.dma_semaphore, #tpu.memory_space<semaphore_mem>>)
    %dma_wait3A_63 = arith.constant 0 : i32
    %dma_wait3A_64 = tpu.memref_slice %arg3[%add3A_58, %dma_wait3A_63] : memref<32768x768xf32, #tpu.memory_space<hbm>> -> memref<64x768xf32, #tpu.memory_space<hbm>>
    %dma_wait3A_65 = arith.constant 0 : i32
    %dma_wait3A_66 = tpu.memref_slice %arg3[%add3A_58, %dma_wait3A_65] : memref<32768x768xf32, #tpu.memory_space<hbm>> -> memref<64x768xf32, #tpu.memory_space<hbm>>
    tpu.wait_dma2 semaphore(%arg8 : memref<!tpu.dma_semaphore, #tpu.memory_space<semaphore_mem>>) src(%arg4 : memref<64x768xf32, #tpu.memory_space<vmem>>) dst(%dma_wait3A_66 : memref<64x768xf32, #tpu.memory_space<hbm>>)
    %add3A_67 = arith.constant 256 : i32
    %add3A_68 = arith.addi %mul3A_2, %add3A_67 : i32
    %dma_start3A_69 = arith.constant 0 : i32
    %dma_start3A_70 = tpu.memref_slice %arg2[%add3A_68, %dma_start3A_69] : memref<32768x768xf32, #tpu.memory_space<hbm>> -> memref<64x768xf32, #tpu.memory_space<hbm>>
    %dma_start3A_71 = arith.constant 0 : i32
    %dma_start3A_72 = tpu.memref_slice %arg2[%add3A_68, %dma_start3A_71] : memref<32768x768xf32, #tpu.memory_space<hbm>> -> memref<64x768xf32, #tpu.memory_space<hbm>>
    tpu.enqueue_dma source(%dma_start3A_72 : memref<64x768xf32, #tpu.memory_space<hbm>>) target(%arg4 : memref<64x768xf32, #tpu.memory_space<vmem>>) target_semaphore(%arg6 : memref<!tpu.dma_semaphore, #tpu.memory_space<semaphore_mem>>)
    %dma_wait3A_73 = arith.constant 0 : i32
    %dma_wait3A_74 = tpu.memref_slice %arg2[%add3A_48, %dma_wait3A_73] : memref<32768x768xf32, #tpu.memory_space<hbm>> -> memref<64x768xf32, #tpu.memory_space<hbm>>
    %dma_wait3A_75 = arith.constant 0 : i32
    %dma_wait3A_76 = tpu.memref_slice %arg2[%add3A_48, %dma_wait3A_75] : memref<32768x768xf32, #tpu.memory_space<hbm>> -> memref<64x768xf32, #tpu.memory_space<hbm>>
    tpu.wait_dma2 semaphore(%arg7 : memref<!tpu.dma_semaphore, #tpu.memory_space<semaphore_mem>>) src(%dma_wait3A_76 : memref<64x768xf32, #tpu.memory_space<hbm>>) dst(%arg5 : memref<64x768xf32, #tpu.memory_space<vmem>>)
    %add3A_77 = arith.constant 192 : i32
    %add3A_78 = arith.addi %mul3A_2, %add3A_77 : i32
    %dma_start3A_79 = arith.constant 0 : i32
    %dma_start3A_80 = tpu.memref_slice %arg3[%add3A_78, %dma_start3A_79] : memref<32768x768xf32, #tpu.memory_space<hbm>> -> memref<64x768xf32, #tpu.memory_space<hbm>>
    %dma_start3A_81 = arith.constant 0 : i32
    %dma_start3A_82 = tpu.memref_slice %arg3[%add3A_78, %dma_start3A_81] : memref<32768x768xf32, #tpu.memory_space<hbm>> -> memref<64x768xf32, #tpu.memory_space<hbm>>
    tpu.enqueue_dma source(%arg5 : memref<64x768xf32, #tpu.memory_space<vmem>>) target(%dma_start3A_82 : memref<64x768xf32, #tpu.memory_space<hbm>>) target_semaphore(%arg9 : memref<!tpu.dma_semaphore, #tpu.memory_space<semaphore_mem>>)
    %dma_wait3A_83 = arith.constant 0 : i32
    %dma_wait3A_84 = tpu.memref_slice %arg3[%add3A_78, %dma_wait3A_83] : memref<32768x768xf32, #tpu.memory_space<hbm>> -> memref<64x768xf32, #tpu.memory_space<hbm>>
    %dma_wait3A_85 = arith.constant 0 : i32
    %dma_wait3A_86 = tpu.memref_slice %arg3[%add3A_78, %dma_wait3A_85] : memref<32768x768xf32, #tpu.memory_space<hbm>> -> memref<64x768xf32, #tpu.memory_space<hbm>>
    tpu.wait_dma2 semaphore(%arg9 : memref<!tpu.dma_semaphore, #tpu.memory_space<semaphore_mem>>) src(%arg5 : memref<64x768xf32, #tpu.memory_space<vmem>>) dst(%dma_wait3A_86 : memref<64x768xf32, #tpu.memory_space<hbm>>)
    %add3A_87 = arith.constant 320 : i32
    %add3A_88 = arith.addi %mul3A_2, %add3A_87 : i32
    %dma_start3A_89 = arith.constant 0 : i32
    %dma_start3A_90 = tpu.memref_slice %arg2[%add3A_88, %dma_start3A_89] : memref<32768x768xf32, #tpu.memory_space<hbm>> -> memref<64x768xf32, #tpu.memory_space<hbm>>
    %dma_start3A_91 = arith.constant 0 : i32
    %dma_start3A_92 = tpu.memref_slice %arg2[%add3A_88, %dma_start3A_91] : memref<32768x768xf32, #tpu.memory_space<hbm>> -> memref<64x768xf32, #tpu.memory_space<hbm>>
    tpu.enqueue_dma source(%dma_start3A_92 : memref<64x768xf32, #tpu.memory_space<hbm>>) target(%arg5 : memref<64x768xf32, #tpu.memory_space<vmem>>) target_semaphore(%arg7 : memref<!tpu.dma_semaphore, #tpu.memory_space<semaphore_mem>>)
    %dma_wait3A_93 = arith.constant 0 : i32
    %dma_wait3A_94 = tpu.memref_slice %arg2[%add3A_68, %dma_wait3A_93] : memref<32768x768xf32, #tpu.memory_space<hbm>> -> memref<64x768xf32, #tpu.memory_space<hbm>>
    %dma_wait3A_95 = arith.constant 0 : i32
    %dma_wait3A_96 = tpu.memref_slice %arg2[%add3A_68, %dma_wait3A_95] : memref<32768x768xf32, #tpu.memory_space<hbm>> -> memref<64x768xf32, #tpu.memory_space<hbm>>
    tpu.wait_dma2 semaphore(%arg6 : memref<!tpu.dma_semaphore, #tpu.memory_space<semaphore_mem>>) src(%dma_wait3A_96 : memref<64x768xf32, #tpu.memory_space<hbm>>) dst(%arg4 : memref<64x768xf32, #tpu.memory_space<vmem>>)
    %add3A_97 = arith.constant 256 : i32
    %add3A_98 = arith.addi %mul3A_2, %add3A_97 : i32
    %dma_start3A_99 = arith.constant 0 : i32
    %dma_start3A_100 = tpu.memref_slice %arg3[%add3A_98, %dma_start3A_99] : memref<32768x768xf32, #tpu.memory_space<hbm>> -> memref<64x768xf32, #tpu.memory_space<hbm>>
    %dma_start3A_101 = arith.constant 0 : i32
    %dma_start3A_102 = tpu.memref_slice %arg3[%add3A_98, %dma_start3A_101] : memref<32768x768xf32, #tpu.memory_space<hbm>> -> memref<64x768xf32, #tpu.memory_space<hbm>>
    tpu.enqueue_dma source(%arg4 : memref<64x768xf32, #tpu.memory_space<vmem>>) target(%dma_start3A_102 : memref<64x768xf32, #tpu.memory_space<hbm>>) target_semaphore(%arg8 : memref<!tpu.dma_semaphore, #tpu.memory_space<semaphore_mem>>)
    %dma_wait3A_103 = arith.constant 0 : i32
    %dma_wait3A_104 = tpu.memref_slice %arg3[%add3A_98, %dma_wait3A_103] : memref<32768x768xf32, #tpu.memory_space<hbm>> -> memref<64x768xf32, #tpu.memory_space<hbm>>
    %dma_wait3A_105 = arith.constant 0 : i32
    %dma_wait3A_106 = tpu.memref_slice %arg3[%add3A_98, %dma_wait3A_105] : memref<32768x768xf32, #tpu.memory_space<hbm>> -> memref<64x768xf32, #tpu.memory_space<hbm>>
    tpu.wait_dma2 semaphore(%arg8 : memref<!tpu.dma_semaphore, #tpu.memory_space<semaphore_mem>>) src(%arg4 : memref<64x768xf32, #tpu.memory_space<vmem>>) dst(%dma_wait3A_106 : memref<64x768xf32, #tpu.memory_space<hbm>>)
    %add3A_107 = arith.constant 384 : i32
    %add3A_108 = arith.addi %mul3A_2, %add3A_107 : i32
    %dma_start3A_109 = arith.constant 0 : i32
    %dma_start3A_110 = tpu.memref_slice %arg2[%add3A_108, %dma_start3A_109] : memref<32768x768xf32, #tpu.memory_space<hbm>> -> memref<64x768xf32, #tpu.memory_space<hbm>>
    %dma_start3A_111 = arith.constant 0 : i32
    %dma_start3A_112 = tpu.memref_slice %arg2[%add3A_108, %dma_start3A_111] : memref<32768x768xf32, #tpu.memory_space<hbm>> -> memref<64x768xf32, #tpu.memory_space<hbm>>
    tpu.enqueue_dma source(%dma_start3A_112 : memref<64x768xf32, #tpu.memory_space<hbm>>) target(%arg4 : memref<64x768xf32, #tpu.memory_space<vmem>>) target_semaphore(%arg6 : memref<!tpu.dma_semaphore, #tpu.memory_space<semaphore_mem>>)
    %dma_wait3A_113 = arith.constant 0 : i32
    %dma_wait3A_114 = tpu.memref_slice %arg2[%add3A_88, %dma_wait3A_113] : memref<32768x768xf32, #tpu.memory_space<hbm>> -> memref<64x768xf32, #tpu.memory_space<hbm>>
    %dma_wait3A_115 = arith.constant 0 : i32
    %dma_wait3A_116 = tpu.memref_slice %arg2[%add3A_88, %dma_wait3A_115] : memref<32768x768xf32, #tpu.memory_space<hbm>> -> memref<64x768xf32, #tpu.memory_space<hbm>>
    tpu.wait_dma2 semaphore(%arg7 : memref<!tpu.dma_semaphore, #tpu.memory_space<semaphore_mem>>) src(%dma_wait3A_116 : memref<64x768xf32, #tpu.memory_space<hbm>>) dst(%arg5 : memref<64x768xf32, #tpu.memory_space<vmem>>)
    %add3A_117 = arith.constant 320 : i32
    %add3A_118 = arith.addi %mul3A_2, %add3A_117 : i32
    %dma_start3A_119 = arith.constant 0 : i32
    %dma_start3A_120 = tpu.memref_slice %arg3[%add3A_118, %dma_start3A_119] : memref<32768x768xf32, #tpu.memory_space<hbm>> -> memref<64x768xf32, #tpu.memory_space<hbm>>
    %dma_start3A_121 = arith.constant 0 : i32
    %dma_start3A_122 = tpu.memref_slice %arg3[%add3A_118, %dma_start3A_121] : memref<32768x768xf32, #tpu.memory_space<hbm>> -> memref<64x768xf32, #tpu.memory_space<hbm>>
    tpu.enqueue_dma source(%arg5 : memref<64x768xf32, #tpu.memory_space<vmem>>) target(%dma_start3A_122 : memref<64x768xf32, #tpu.memory_space<hbm>>) target_semaphore(%arg9 : memref<!tpu.dma_semaphore, #tpu.memory_space<semaphore_mem>>)
    %dma_wait3A_123 = arith.constant 0 : i32
    %dma_wait3A_124 = tpu.memref_slice %arg3[%add3A_118, %dma_wait3A_123] : memref<32768x768xf32, #tpu.memory_space<hbm>> -> memref<64x768xf32, #tpu.memory_space<hbm>>
    %dma_wait3A_125 = arith.constant 0 : i32
    %dma_wait3A_126 = tpu.memref_slice %arg3[%add3A_118, %dma_wait3A_125] : memref<32768x768xf32, #tpu.memory_space<hbm>> -> memref<64x768xf32, #tpu.memory_space<hbm>>
    tpu.wait_dma2 semaphore(%arg9 : memref<!tpu.dma_semaphore, #tpu.memory_space<semaphore_mem>>) src(%arg5 : memref<64x768xf32, #tpu.memory_space<vmem>>) dst(%dma_wait3A_126 : memref<64x768xf32, #tpu.memory_space<hbm>>)
    %add3A_127 = arith.constant 448 : i32
    %add3A_128 = arith.addi %mul3A_2, %add3A_127 : i32
    %dma_start3A_129 = arith.constant 0 : i32
    %dma_start3A_130 = tpu.memref_slice %arg2[%add3A_128, %dma_start3A_129] : memref<32768x768xf32, #tpu.memory_space<hbm>> -> memref<64x768xf32, #tpu.memory_space<hbm>>
    %dma_start3A_131 = arith.constant 0 : i32
    %dma_start3A_132 = tpu.memref_slice %arg2[%add3A_128, %dma_start3A_131] : memref<32768x768xf32, #tpu.memory_space<hbm>> -> memref<64x768xf32, #tpu.memory_space<hbm>>
    tpu.enqueue_dma source(%dma_start3A_132 : memref<64x768xf32, #tpu.memory_space<hbm>>) target(%arg5 : memref<64x768xf32, #tpu.memory_space<vmem>>) target_semaphore(%arg7 : memref<!tpu.dma_semaphore, #tpu.memory_space<semaphore_mem>>)
    %dma_wait3A_133 = arith.constant 0 : i32
    %dma_wait3A_134 = tpu.memref_slice %arg2[%add3A_108, %dma_wait3A_133] : memref<32768x768xf32, #tpu.memory_space<hbm>> -> memref<64x768xf32, #tpu.memory_space<hbm>>
    %dma_wait3A_135 = arith.constant 0 : i32
    %dma_wait3A_136 = tpu.memref_slice %arg2[%add3A_108, %dma_wait3A_135] : memref<32768x768xf32, #tpu.memory_space<hbm>> -> memref<64x768xf32, #tpu.memory_space<hbm>>
    tpu.wait_dma2 semaphore(%arg6 : memref<!tpu.dma_semaphore, #tpu.memory_space<semaphore_mem>>) src(%dma_wait3A_136 : memref<64x768xf32, #tpu.memory_space<hbm>>) dst(%arg4 : memref<64x768xf32, #tpu.memory_space<vmem>>)
    %add3A_137 = arith.constant 384 : i32
    %add3A_138 = arith.addi %mul3A_2, %add3A_137 : i32
    %dma_start3A_139 = arith.constant 0 : i32
    %dma_start3A_140 = tpu.memref_slice %arg3[%add3A_138, %dma_start3A_139] : memref<32768x768xf32, #tpu.memory_space<hbm>> -> memref<64x768xf32, #tpu.memory_space<hbm>>
    %dma_start3A_141 = arith.constant 0 : i32
    %dma_start3A_142 = tpu.memref_slice %arg3[%add3A_138, %dma_start3A_141] : memref<32768x768xf32, #tpu.memory_space<hbm>> -> memref<64x768xf32, #tpu.memory_space<hbm>>
    tpu.enqueue_dma source(%arg4 : memref<64x768xf32, #tpu.memory_space<vmem>>) target(%dma_start3A_142 : memref<64x768xf32, #tpu.memory_space<hbm>>) target_semaphore(%arg8 : memref<!tpu.dma_semaphore, #tpu.memory_space<semaphore_mem>>)
    %dma_wait3A_143 = arith.constant 0 : i32
    %dma_wait3A_144 = tpu.memref_slice %arg3[%add3A_138, %dma_wait3A_143] : memref<32768x768xf32, #tpu.memory_space<hbm>> -> memref<64x768xf32, #tpu.memory_space<hbm>>
    %dma_wait3A_145 = arith.constant 0 : i32
    %dma_wait3A_146 = tpu.memref_slice %arg3[%add3A_138, %dma_wait3A_145] : memref<32768x768xf32, #tpu.memory_space<hbm>> -> memref<64x768xf32, #tpu.memory_space<hbm>>
    tpu.wait_dma2 semaphore(%arg8 : memref<!tpu.dma_semaphore, #tpu.memory_space<semaphore_mem>>) src(%arg4 : memref<64x768xf32, #tpu.memory_space<vmem>>) dst(%dma_wait3A_146 : memref<64x768xf32, #tpu.memory_space<hbm>>)
    %add3A_147 = arith.constant 512 : i32
    %add3A_148 = arith.addi %mul3A_2, %add3A_147 : i32
    %dma_start3A_149 = arith.constant 0 : i32
    %dma_start3A_150 = tpu.memref_slice %arg2[%add3A_148, %dma_start3A_149] : memref<32768x768xf32, #tpu.memory_space<hbm>> -> memref<64x768xf32, #tpu.memory_space<hbm>>
    %dma_start3A_151 = arith.constant 0 : i32
    %dma_start3A_152 = tpu.memref_slice %arg2[%add3A_148, %dma_start3A_151] : memref<32768x768xf32, #tpu.memory_space<hbm>> -> memref<64x768xf32, #tpu.memory_space<hbm>>
    tpu.enqueue_dma source(%dma_start3A_152 : memref<64x768xf32, #tpu.memory_space<hbm>>) target(%arg4 : memref<64x768xf32, #tpu.memory_space<vmem>>) target_semaphore(%arg6 : memref<!tpu.dma_semaphore, #tpu.memory_space<semaphore_mem>>)
    %dma_wait3A_153 = arith.constant 0 : i32
    %dma_wait3A_154 = tpu.memref_slice %arg2[%add3A_128, %dma_wait3A_153] : memref<32768x768xf32, #tpu.memory_space<hbm>> -> memref<64x768xf32, #tpu.memory_space<hbm>>
    %dma_wait3A_155 = arith.constant 0 : i32
    %dma_wait3A_156 = tpu.memref_slice %arg2[%add3A_128, %dma_wait3A_155] : memref<32768x768xf32, #tpu.memory_space<hbm>> -> memref<64x768xf32, #tpu.memory_space<hbm>>
    tpu.wait_dma2 semaphore(%arg7 : memref<!tpu.dma_semaphore, #tpu.memory_space<semaphore_mem>>) src(%dma_wait3A_156 : memref<64x768xf32, #tpu.memory_space<hbm>>) dst(%arg5 : memref<64x768xf32, #tpu.memory_space<vmem>>)
    %add3A_157 = arith.constant 448 : i32
    %add3A_158 = arith.addi %mul3A_2, %add3A_157 : i32
    %dma_start3A_159 = arith.constant 0 : i32
    %dma_start3A_160 = tpu.memref_slice %arg3[%add3A_158, %dma_start3A_159] : memref<32768x768xf32, #tpu.memory_space<hbm>> -> memref<64x768xf32, #tpu.memory_space<hbm>>
    %dma_start3A_161 = arith.constant 0 : i32
    %dma_start3A_162 = tpu.memref_slice %arg3[%add3A_158, %dma_start3A_161] : memref<32768x768xf32, #tpu.memory_space<hbm>> -> memref<64x768xf32, #tpu.memory_space<hbm>>
    tpu.enqueue_dma source(%arg5 : memref<64x768xf32, #tpu.memory_space<vmem>>) target(%dma_start3A_162 : memref<64x768xf32, #tpu.memory_space<hbm>>) target_semaphore(%arg9 : memref<!tpu.dma_semaphore, #tpu.memory_space<semaphore_mem>>)
    %dma_wait3A_163 = arith.constant 0 : i32
    %dma_wait3A_164 = tpu.memref_slice %arg3[%add3A_158, %dma_wait3A_163] : memref<32768x768xf32, #tpu.memory_space<hbm>> -> memref<64x768xf32, #tpu.memory_space<hbm>>
    %dma_wait3A_165 = arith.constant 0 : i32
    %dma_wait3A_166 = tpu.memref_slice %arg3[%add3A_158, %dma_wait3A_165] : memref<32768x768xf32, #tpu.memory_space<hbm>> -> memref<64x768xf32, #tpu.memory_space<hbm>>
    tpu.wait_dma2 semaphore(%arg9 : memref<!tpu.dma_semaphore, #tpu.memory_space<semaphore_mem>>) src(%arg5 : memref<64x768xf32, #tpu.memory_space<vmem>>) dst(%dma_wait3A_166 : memref<64x768xf32, #tpu.memory_space<hbm>>)
    %add3A_167 = arith.constant 576 : i32
    %add3A_168 = arith.addi %mul3A_2, %add3A_167 : i32
    %dma_start3A_169 = arith.constant 0 : i32
    %dma_start3A_170 = tpu.memref_slice %arg2[%add3A_168, %dma_start3A_169] : memref<32768x768xf32, #tpu.memory_space<hbm>> -> memref<64x768xf32, #tpu.memory_space<hbm>>
    %dma_start3A_171 = arith.constant 0 : i32
    %dma_start3A_172 = tpu.memref_slice %arg2[%add3A_168, %dma_start3A_171] : memref<32768x768xf32, #tpu.memory_space<hbm>> -> memref<64x768xf32, #tpu.memory_space<hbm>>
    tpu.enqueue_dma source(%dma_start3A_172 : memref<64x768xf32, #tpu.memory_space<hbm>>) target(%arg5 : memref<64x768xf32, #tpu.memory_space<vmem>>) target_semaphore(%arg7 : memref<!tpu.dma_semaphore, #tpu.memory_space<semaphore_mem>>)
    %dma_wait3A_173 = arith.constant 0 : i32
    %dma_wait3A_174 = tpu.memref_slice %arg2[%add3A_148, %dma_wait3A_173] : memref<32768x768xf32, #tpu.memory_space<hbm>> -> memref<64x768xf32, #tpu.memory_space<hbm>>
    %dma_wait3A_175 = arith.constant 0 : i32
    %dma_wait3A_176 = tpu.memref_slice %arg2[%add3A_148, %dma_wait3A_175] : memref<32768x768xf32, #tpu.memory_space<hbm>> -> memref<64x768xf32, #tpu.memory_space<hbm>>
    tpu.wait_dma2 semaphore(%arg6 : memref<!tpu.dma_semaphore, #tpu.memory_space<semaphore_mem>>) src(%dma_wait3A_176 : memref<64x768xf32, #tpu.memory_space<hbm>>) dst(%arg4 : memref<64x768xf32, #tpu.memory_space<vmem>>)
    %add3A_177 = arith.constant 512 : i32
    %add3A_178 = arith.addi %mul3A_2, %add3A_177 : i32
    %dma_start3A_179 = arith.constant 0 : i32
    %dma_start3A_180 = tpu.memref_slice %arg3[%add3A_178, %dma_start3A_179] : memref<32768x768xf32, #tpu.memory_space<hbm>> -> memref<64x768xf32, #tpu.memory_space<hbm>>
    %dma_start3A_181 = arith.constant 0 : i32
    %dma_start3A_182 = tpu.memref_slice %arg3[%add3A_178, %dma_start3A_181] : memref<32768x768xf32, #tpu.memory_space<hbm>> -> memref<64x768xf32, #tpu.memory_space<hbm>>
    tpu.enqueue_dma source(%arg4 : memref<64x768xf32, #tpu.memory_space<vmem>>) target(%dma_start3A_182 : memref<64x768xf32, #tpu.memory_space<hbm>>) target_semaphore(%arg8 : memref<!tpu.dma_semaphore, #tpu.memory_space<semaphore_mem>>)
    %dma_wait3A_183 = arith.constant 0 : i32
    %dma_wait3A_184 = tpu.memref_slice %arg3[%add3A_178, %dma_wait3A_183] : memref<32768x768xf32, #tpu.memory_space<hbm>> -> memref<64x768xf32, #tpu.memory_space<hbm>>
    %dma_wait3A_185 = arith.constant 0 : i32
    %dma_wait3A_186 = tpu.memref_slice %arg3[%add3A_178, %dma_wait3A_185] : memref<32768x768xf32, #tpu.memory_space<hbm>> -> memref<64x768xf32, #tpu.memory_space<hbm>>
    tpu.wait_dma2 semaphore(%arg8 : memref<!tpu.dma_semaphore, #tpu.memory_space<semaphore_mem>>) src(%arg4 : memref<64x768xf32, #tpu.memory_space<vmem>>) dst(%dma_wait3A_186 : memref<64x768xf32, #tpu.memory_space<hbm>>)
    %add3A_187 = arith.constant 640 : i32
    %add3A_188 = arith.addi %mul3A_2, %add3A_187 : i32
    %dma_start3A_189 = arith.constant 0 : i32
    %dma_start3A_190 = tpu.memref_slice %arg2[%add3A_188, %dma_start3A_189] : memref<32768x768xf32, #tpu.memory_space<hbm>> -> memref<64x768xf32, #tpu.memory_space<hbm>>
    %dma_start3A_191 = arith.constant 0 : i32
    %dma_start3A_192 = tpu.memref_slice %arg2[%add3A_188, %dma_start3A_191] : memref<32768x768xf32, #tpu.memory_space<hbm>> -> memref<64x768xf32, #tpu.memory_space<hbm>>
    tpu.enqueue_dma source(%dma_start3A_192 : memref<64x768xf32, #tpu.memory_space<hbm>>) target(%arg4 : memref<64x768xf32, #tpu.memory_space<vmem>>) target_semaphore(%arg6 : memref<!tpu.dma_semaphore, #tpu.memory_space<semaphore_mem>>)
    %dma_wait3A_193 = arith.constant 0 : i32
    %dma_wait3A_194 = tpu.memref_slice %arg2[%add3A_168, %dma_wait3A_193] : memref<32768x768xf32, #tpu.memory_space<hbm>> -> memref<64x768xf32, #tpu.memory_space<hbm>>
    %dma_wait3A_195 = arith.constant 0 : i32
    %dma_wait3A_196 = tpu.memref_slice %arg2[%add3A_168, %dma_wait3A_195] : memref<32768x768xf32, #tpu.memory_space<hbm>> -> memref<64x768xf32, #tpu.memory_space<hbm>>
    tpu.wait_dma2 semaphore(%arg7 : memref<!tpu.dma_semaphore, #tpu.memory_space<semaphore_mem>>) src(%dma_wait3A_196 : memref<64x768xf32, #tpu.memory_space<hbm>>) dst(%arg5 : memref<64x768xf32, #tpu.memory_space<vmem>>)
    %add3A_197 = arith.constant 576 : i32
    %add3A_198 = arith.addi %mul3A_2, %add3A_197 : i32
    %dma_start3A_199 = arith.constant 0 : i32
    %dma_start3A_200 = tpu.memref_slice %arg3[%add3A_198, %dma_start3A_199] : memref<32768x768xf32, #tpu.memory_space<hbm>> -> memref<64x768xf32, #tpu.memory_space<hbm>>
    %dma_start3A_201 = arith.constant 0 : i32
    %dma_start3A_202 = tpu.memref_slice %arg3[%add3A_198, %dma_start3A_201] : memref<32768x768xf32, #tpu.memory_space<hbm>> -> memref<64x768xf32, #tpu.memory_space<hbm>>
    tpu.enqueue_dma source(%arg5 : memref<64x768xf32, #tpu.memory_space<vmem>>) target(%dma_start3A_202 : memref<64x768xf32, #tpu.memory_space<hbm>>) target_semaphore(%arg9 : memref<!tpu.dma_semaphore, #tpu.memory_space<semaphore_mem>>)
    %dma_wait3A_203 = arith.constant 0 : i32
    %dma_wait3A_204 = tpu.memref_slice %arg3[%add3A_198, %dma_wait3A_203] : memref<32768x768xf32, #tpu.memory_space<hbm>> -> memref<64x768xf32, #tpu.memory_space<hbm>>
    %dma_wait3A_205 = arith.constant 0 : i32
    %dma_wait3A_206 = tpu.memref_slice %arg3[%add3A_198, %dma_wait3A_205] : memref<32768x768xf32, #tpu.memory_space<hbm>> -> memref<64x768xf32, #tpu.memory_space<hbm>>
    tpu.wait_dma2 semaphore(%arg9 : memref<!tpu.dma_semaphore, #tpu.memory_space<semaphore_mem>>) src(%arg5 : memref<64x768xf32, #tpu.memory_space<vmem>>) dst(%dma_wait3A_206 : memref<64x768xf32, #tpu.memory_space<hbm>>)
    %add3A_207 = arith.constant 704 : i32
    %add3A_208 = arith.addi %mul3A_2, %add3A_207 : i32
    %dma_start3A_209 = arith.constant 0 : i32
    %dma_start3A_210 = tpu.memref_slice %arg2[%add3A_208, %dma_start3A_209] : memref<32768x768xf32, #tpu.memory_space<hbm>> -> memref<64x768xf32, #tpu.memory_space<hbm>>
    %dma_start3A_211 = arith.constant 0 : i32
    %dma_start3A_212 = tpu.memref_slice %arg2[%add3A_208, %dma_start3A_211] : memref<32768x768xf32, #tpu.memory_space<hbm>> -> memref<64x768xf32, #tpu.memory_space<hbm>>
    tpu.enqueue_dma source(%dma_start3A_212 : memref<64x768xf32, #tpu.memory_space<hbm>>) target(%arg5 : memref<64x768xf32, #tpu.memory_space<vmem>>) target_semaphore(%arg7 : memref<!tpu.dma_semaphore, #tpu.memory_space<semaphore_mem>>)
    %dma_wait3A_213 = arith.constant 0 : i32
    %dma_wait3A_214 = tpu.memref_slice %arg2[%add3A_188, %dma_wait3A_213] : memref<32768x768xf32, #tpu.memory_space<hbm>> -> memref<64x768xf32, #tpu.memory_space<hbm>>
    %dma_wait3A_215 = arith.constant 0 : i32
    %dma_wait3A_216 = tpu.memref_slice %arg2[%add3A_188, %dma_wait3A_215] : memref<32768x768xf32, #tpu.memory_space<hbm>> -> memref<64x768xf32, #tpu.memory_space<hbm>>
    tpu.wait_dma2 semaphore(%arg6 : memref<!tpu.dma_semaphore, #tpu.memory_space<semaphore_mem>>) src(%dma_wait3A_216 : memref<64x768xf32, #tpu.memory_space<hbm>>) dst(%arg4 : memref<64x768xf32, #tpu.memory_space<vmem>>)
    %add3A_217 = arith.constant 640 : i32
    %add3A_218 = arith.addi %mul3A_2, %add3A_217 : i32
    %dma_start3A_219 = arith.constant 0 : i32
    %dma_start3A_220 = tpu.memref_slice %arg3[%add3A_218, %dma_start3A_219] : memref<32768x768xf32, #tpu.memory_space<hbm>> -> memref<64x768xf32, #tpu.memory_space<hbm>>
    %dma_start3A_221 = arith.constant 0 : i32
    %dma_start3A_222 = tpu.memref_slice %arg3[%add3A_218, %dma_start3A_221] : memref<32768x768xf32, #tpu.memory_space<hbm>> -> memref<64x768xf32, #tpu.memory_space<hbm>>
    tpu.enqueue_dma source(%arg4 : memref<64x768xf32, #tpu.memory_space<vmem>>) target(%dma_start3A_222 : memref<64x768xf32, #tpu.memory_space<hbm>>) target_semaphore(%arg8 : memref<!tpu.dma_semaphore, #tpu.memory_space<semaphore_mem>>)
    %dma_wait3A_223 = arith.constant 0 : i32
    %dma_wait3A_224 = tpu.memref_slice %arg3[%add3A_218, %dma_wait3A_223] : memref<32768x768xf32, #tpu.memory_space<hbm>> -> memref<64x768xf32, #tpu.memory_space<hbm>>
    %dma_wait3A_225 = arith.constant 0 : i32
    %dma_wait3A_226 = tpu.memref_slice %arg3[%add3A_218, %dma_wait3A_225] : memref<32768x768xf32, #tpu.memory_space<hbm>> -> memref<64x768xf32, #tpu.memory_space<hbm>>
    tpu.wait_dma2 semaphore(%arg8 : memref<!tpu.dma_semaphore, #tpu.memory_space<semaphore_mem>>) src(%arg4 : memref<64x768xf32, #tpu.memory_space<vmem>>) dst(%dma_wait3A_226 : memref<64x768xf32, #tpu.memory_space<hbm>>)
    %add3A_227 = arith.constant 768 : i32
    %add3A_228 = arith.addi %mul3A_2, %add3A_227 : i32
    %dma_start3A_229 = arith.constant 0 : i32
    %dma_start3A_230 = tpu.memref_slice %arg2[%add3A_228, %dma_start3A_229] : memref<32768x768xf32, #tpu.memory_space<hbm>> -> memref<64x768xf32, #tpu.memory_space<hbm>>
    %dma_start3A_231 = arith.constant 0 : i32
    %dma_start3A_232 = tpu.memref_slice %arg2[%add3A_228, %dma_start3A_231] : memref<32768x768xf32, #tpu.memory_space<hbm>> -> memref<64x768xf32, #tpu.memory_space<hbm>>
    tpu.enqueue_dma source(%dma_start3A_232 : memref<64x768xf32, #tpu.memory_space<hbm>>) target(%arg4 : memref<64x768xf32, #tpu.memory_space<vmem>>) target_semaphore(%arg6 : memref<!tpu.dma_semaphore, #tpu.memory_space<semaphore_mem>>)
    %dma_wait3A_233 = arith.constant 0 : i32
    %dma_wait3A_234 = tpu.memref_slice %arg2[%add3A_208, %dma_wait3A_233] : memref<32768x768xf32, #tpu.memory_space<hbm>> -> memref<64x768xf32, #tpu.memory_space<hbm>>
    %dma_wait3A_235 = arith.constant 0 : i32
    %dma_wait3A_236 = tpu.memref_slice %arg2[%add3A_208, %dma_wait3A_235] : memref<32768x768xf32, #tpu.memory_space<hbm>> -> memref<64x768xf32, #tpu.memory_space<hbm>>
    tpu.wait_dma2 semaphore(%arg7 : memref<!tpu.dma_semaphore, #tpu.memory_space<semaphore_mem>>) src(%dma_wait3A_236 : memref<64x768xf32, #tpu.memory_space<hbm>>) dst(%arg5 : memref<64x768xf32, #tpu.memory_space<vmem>>)
    %add3A_237 = arith.constant 704 : i32
    %add3A_238 = arith.addi %mul3A_2, %add3A_237 : i32
    %dma_start3A_239 = arith.constant 0 : i32
    %dma_start3A_240 = tpu.memref_slice %arg3[%add3A_238, %dma_start3A_239] : memref<32768x768xf32, #tpu.memory_space<hbm>> -> memref<64x768xf32, #tpu.memory_space<hbm>>
    %dma_start3A_241 = arith.constant 0 : i32
    %dma_start3A_242 = tpu.memref_slice %arg3[%add3A_238, %dma_start3A_241] : memref<32768x768xf32, #tpu.memory_space<hbm>> -> memref<64x768xf32, #tpu.memory_space<hbm>>
    tpu.enqueue_dma source(%arg5 : memref<64x768xf32, #tpu.memory_space<vmem>>) target(%dma_start3A_242 : memref<64x768xf32, #tpu.memory_space<hbm>>) target_semaphore(%arg9 : memref<!tpu.dma_semaphore, #tpu.memory_space<semaphore_mem>>)
    %dma_wait3A_243 = arith.constant 0 : i32
    %dma_wait3A_244 = tpu.memref_slice %arg3[%add3A_238, %dma_wait3A_243] : memref<32768x768xf32, #tpu.memory_space<hbm>> -> memref<64x768xf32, #tpu.memory_space<hbm>>
    %dma_wait3A_245 = arith.constant 0 : i32
    %dma_wait3A_246 = tpu.memref_slice %arg3[%add3A_238, %dma_wait3A_245] : memref<32768x768xf32, #tpu.memory_space<hbm>> -> memref<64x768xf32, #tpu.memory_space<hbm>>
    tpu.wait_dma2 semaphore(%arg9 : memref<!tpu.dma_semaphore, #tpu.memory_space<semaphore_mem>>) src(%arg5 : memref<64x768xf32, #tpu.memory_space<vmem>>) dst(%dma_wait3A_246 : memref<64x768xf32, #tpu.memory_space<hbm>>)
    %add3A_247 = arith.constant 832 : i32
    %add3A_248 = arith.addi %mul3A_2, %add3A_247 : i32
    %dma_start3A_249 = arith.constant 0 : i32
    %dma_start3A_250 = tpu.memref_slice %arg2[%add3A_248, %dma_start3A_249] : memref<32768x768xf32, #tpu.memory_space<hbm>> -> memref<64x768xf32, #tpu.memory_space<hbm>>
    %dma_start3A_251 = arith.constant 0 : i32
    %dma_start3A_252 = tpu.memref_slice %arg2[%add3A_248, %dma_start3A_251] : memref<32768x768xf32, #tpu.memory_space<hbm>> -> memref<64x768xf32, #tpu.memory_space<hbm>>
    tpu.enqueue_dma source(%dma_start3A_252 : memref<64x768xf32, #tpu.memory_space<hbm>>) target(%arg5 : memref<64x768xf32, #tpu.memory_space<vmem>>) target_semaphore(%arg7 : memref<!tpu.dma_semaphore, #tpu.memory_space<semaphore_mem>>)
    %dma_wait3A_253 = arith.constant 0 : i32
    %dma_wait3A_254 = tpu.memref_slice %arg2[%add3A_228, %dma_wait3A_253] : memref<32768x768xf32, #tpu.memory_space<hbm>> -> memref<64x768xf32, #tpu.memory_space<hbm>>
    %dma_wait3A_255 = arith.constant 0 : i32
    %dma_wait3A_256 = tpu.memref_slice %arg2[%add3A_228, %dma_wait3A_255] : memref<32768x768xf32, #tpu.memory_space<hbm>> -> memref<64x768xf32, #tpu.memory_space<hbm>>
    tpu.wait_dma2 semaphore(%arg6 : memref<!tpu.dma_semaphore, #tpu.memory_space<semaphore_mem>>) src(%dma_wait3A_256 : memref<64x768xf32, #tpu.memory_space<hbm>>) dst(%arg4 : memref<64x768xf32, #tpu.memory_space<vmem>>)
    %add3A_257 = arith.constant 768 : i32
    %add3A_258 = arith.addi %mul3A_2, %add3A_257 : i32
    %dma_start3A_259 = arith.constant 0 : i32
    %dma_start3A_260 = tpu.memref_slice %arg3[%add3A_258, %dma_start3A_259] : memref<32768x768xf32, #tpu.memory_space<hbm>> -> memref<64x768xf32, #tpu.memory_space<hbm>>
    %dma_start3A_261 = arith.constant 0 : i32
    %dma_start3A_262 = tpu.memref_slice %arg3[%add3A_258, %dma_start3A_261] : memref<32768x768xf32, #tpu.memory_space<hbm>> -> memref<64x768xf32, #tpu.memory_space<hbm>>
    tpu.enqueue_dma source(%arg4 : memref<64x768xf32, #tpu.memory_space<vmem>>) target(%dma_start3A_262 : memref<64x768xf32, #tpu.memory_space<hbm>>) target_semaphore(%arg8 : memref<!tpu.dma_semaphore, #tpu.memory_space<semaphore_mem>>)
    %dma_wait3A_263 = arith.constant 0 : i32
    %dma_wait3A_264 = tpu.memref_slice %arg3[%add3A_258, %dma_wait3A_263] : memref<32768x768xf32, #tpu.memory_space<hbm>> -> memref<64x768xf32, #tpu.memory_space<hbm>>
    %dma_wait3A_265 = arith.constant 0 : i32
    %dma_wait3A_266 = tpu.memref_slice %arg3[%add3A_258, %dma_wait3A_265] : memref<32768x768xf32, #tpu.memory_space<hbm>> -> memref<64x768xf32, #tpu.memory_space<hbm>>
    tpu.wait_dma2 semaphore(%arg8 : memref<!tpu.dma_semaphore, #tpu.memory_space<semaphore_mem>>) src(%arg4 : memref<64x768xf32, #tpu.memory_space<vmem>>) dst(%dma_wait3A_266 : memref<64x768xf32, #tpu.memory_space<hbm>>)
    %add3A_267 = arith.constant 896 : i32
    %add3A_268 = arith.addi %mul3A_2, %add3A_267 : i32
    %dma_start3A_269 = arith.constant 0 : i32
    %dma_start3A_270 = tpu.memref_slice %arg2[%add3A_268, %dma_start3A_269] : memref<32768x768xf32, #tpu.memory_space<hbm>> -> memref<64x768xf32, #tpu.memory_space<hbm>>
    %dma_start3A_271 = arith.constant 0 : i32
    %dma_start3A_272 = tpu.memref_slice %arg2[%add3A_268, %dma_start3A_271] : memref<32768x768xf32, #tpu.memory_space<hbm>> -> memref<64x768xf32, #tpu.memory_space<hbm>>
    tpu.enqueue_dma source(%dma_start3A_272 : memref<64x768xf32, #tpu.memory_space<hbm>>) target(%arg4 : memref<64x768xf32, #tpu.memory_space<vmem>>) target_semaphore(%arg6 : memref<!tpu.dma_semaphore, #tpu.memory_space<semaphore_mem>>)
    %dma_wait3A_273 = arith.constant 0 : i32
    %dma_wait3A_274 = tpu.memref_slice %arg2[%add3A_248, %dma_wait3A_273] : memref<32768x768xf32, #tpu.memory_space<hbm>> -> memref<64x768xf32, #tpu.memory_space<hbm>>
    %dma_wait3A_275 = arith.constant 0 : i32
    %dma_wait3A_276 = tpu.memref_slice %arg2[%add3A_248, %dma_wait3A_275] : memref<32768x768xf32, #tpu.memory_space<hbm>> -> memref<64x768xf32, #tpu.memory_space<hbm>>
    tpu.wait_dma2 semaphore(%arg7 : memref<!tpu.dma_semaphore, #tpu.memory_space<semaphore_mem>>) src(%dma_wait3A_276 : memref<64x768xf32, #tpu.memory_space<hbm>>) dst(%arg5 : memref<64x768xf32, #tpu.memory_space<vmem>>)
    %add3A_277 = arith.constant 832 : i32
    %add3A_278 = arith.addi %mul3A_2, %add3A_277 : i32
    %dma_start3A_279 = arith.constant 0 : i32
    %dma_start3A_280 = tpu.memref_slice %arg3[%add3A_278, %dma_start3A_279] : memref<32768x768xf32, #tpu.memory_space<hbm>> -> memref<64x768xf32, #tpu.memory_space<hbm>>
    %dma_start3A_281 = arith.constant 0 : i32
    %dma_start3A_282 = tpu.memref_slice %arg3[%add3A_278, %dma_start3A_281] : memref<32768x768xf32, #tpu.memory_space<hbm>> -> memref<64x768xf32, #tpu.memory_space<hbm>>
    tpu.enqueue_dma source(%arg5 : memref<64x768xf32, #tpu.memory_space<vmem>>) target(%dma_start3A_282 : memref<64x768xf32, #tpu.memory_space<hbm>>) target_semaphore(%arg9 : memref<!tpu.dma_semaphore, #tpu.memory_space<semaphore_mem>>)
    %dma_wait3A_283 = arith.constant 0 : i32
    %dma_wait3A_284 = tpu.memref_slice %arg3[%add3A_278, %dma_wait3A_283] : memref<32768x768xf32, #tpu.memory_space<hbm>> -> memref<64x768xf32, #tpu.memory_space<hbm>>
    %dma_wait3A_285 = arith.constant 0 : i32
    %dma_wait3A_286 = tpu.memref_slice %arg3[%add3A_278, %dma_wait3A_285] : memref<32768x768xf32, #tpu.memory_space<hbm>> -> memref<64x768xf32, #tpu.memory_space<hbm>>
    tpu.wait_dma2 semaphore(%arg9 : memref<!tpu.dma_semaphore, #tpu.memory_space<semaphore_mem>>) src(%arg5 : memref<64x768xf32, #tpu.memory_space<vmem>>) dst(%dma_wait3A_286 : memref<64x768xf32, #tpu.memory_space<hbm>>)
    %add3A_287 = arith.constant 960 : i32
    %add3A_288 = arith.addi %mul3A_2, %add3A_287 : i32
    %dma_start3A_289 = arith.constant 0 : i32
    %dma_start3A_290 = tpu.memref_slice %arg2[%add3A_288, %dma_start3A_289] : memref<32768x768xf32, #tpu.memory_space<hbm>> -> memref<64x768xf32, #tpu.memory_space<hbm>>
    %dma_start3A_291 = arith.constant 0 : i32
    %dma_start3A_292 = tpu.memref_slice %arg2[%add3A_288, %dma_start3A_291] : memref<32768x768xf32, #tpu.memory_space<hbm>> -> memref<64x768xf32, #tpu.memory_space<hbm>>
    tpu.enqueue_dma source(%dma_start3A_292 : memref<64x768xf32, #tpu.memory_space<hbm>>) target(%arg5 : memref<64x768xf32, #tpu.memory_space<vmem>>) target_semaphore(%arg7 : memref<!tpu.dma_semaphore, #tpu.memory_space<semaphore_mem>>)
    %dma_wait3A_293 = arith.constant 0 : i32
    %dma_wait3A_294 = tpu.memref_slice %arg2[%add3A_268, %dma_wait3A_293] : memref<32768x768xf32, #tpu.memory_space<hbm>> -> memref<64x768xf32, #tpu.memory_space<hbm>>
    %dma_wait3A_295 = arith.constant 0 : i32
    %dma_wait3A_296 = tpu.memref_slice %arg2[%add3A_268, %dma_wait3A_295] : memref<32768x768xf32, #tpu.memory_space<hbm>> -> memref<64x768xf32, #tpu.memory_space<hbm>>
    tpu.wait_dma2 semaphore(%arg6 : memref<!tpu.dma_semaphore, #tpu.memory_space<semaphore_mem>>) src(%dma_wait3A_296 : memref<64x768xf32, #tpu.memory_space<hbm>>) dst(%arg4 : memref<64x768xf32, #tpu.memory_space<vmem>>)
    %add3A_297 = arith.constant 896 : i32
    %add3A_298 = arith.addi %mul3A_2, %add3A_297 : i32
    %dma_start3A_299 = arith.constant 0 : i32
    %dma_start3A_300 = tpu.memref_slice %arg3[%add3A_298, %dma_start3A_299] : memref<32768x768xf32, #tpu.memory_space<hbm>> -> memref<64x768xf32, #tpu.memory_space<hbm>>
    %dma_start3A_301 = arith.constant 0 : i32
    %dma_start3A_302 = tpu.memref_slice %arg3[%add3A_298, %dma_start3A_301] : memref<32768x768xf32, #tpu.memory_space<hbm>> -> memref<64x768xf32, #tpu.memory_space<hbm>>
    tpu.enqueue_dma source(%arg4 : memref<64x768xf32, #tpu.memory_space<vmem>>) target(%dma_start3A_302 : memref<64x768xf32, #tpu.memory_space<hbm>>) target_semaphore(%arg8 : memref<!tpu.dma_semaphore, #tpu.memory_space<semaphore_mem>>)
    %dma_wait3A_303 = arith.constant 0 : i32
    %dma_wait3A_304 = tpu.memref_slice %arg2[%add3A_288, %dma_wait3A_303] : memref<32768x768xf32, #tpu.memory_space<hbm>> -> memref<64x768xf32, #tpu.memory_space<hbm>>
    %dma_wait3A_305 = arith.constant 0 : i32
    %dma_wait3A_306 = tpu.memref_slice %arg2[%add3A_288, %dma_wait3A_305] : memref<32768x768xf32, #tpu.memory_space<hbm>> -> memref<64x768xf32, #tpu.memory_space<hbm>>
    tpu.wait_dma2 semaphore(%arg7 : memref<!tpu.dma_semaphore, #tpu.memory_space<semaphore_mem>>) src(%dma_wait3A_306 : memref<64x768xf32, #tpu.memory_space<hbm>>) dst(%arg5 : memref<64x768xf32, #tpu.memory_space<vmem>>)
    %add3A_307 = arith.constant 960 : i32
    %add3A_308 = arith.addi %mul3A_2, %add3A_307 : i32
    %dma_start3A_309 = arith.constant 0 : i32
    %dma_start3A_310 = tpu.memref_slice %arg3[%add3A_308, %dma_start3A_309] : memref<32768x768xf32, #tpu.memory_space<hbm>> -> memref<64x768xf32, #tpu.memory_space<hbm>>
    %dma_start3A_311 = arith.constant 0 : i32
    %dma_start3A_312 = tpu.memref_slice %arg3[%add3A_308, %dma_start3A_311] : memref<32768x768xf32, #tpu.memory_space<hbm>> -> memref<64x768xf32, #tpu.memory_space<hbm>>
    tpu.enqueue_dma source(%arg5 : memref<64x768xf32, #tpu.memory_space<vmem>>) target(%dma_start3A_312 : memref<64x768xf32, #tpu.memory_space<hbm>>) target_semaphore(%arg9 : memref<!tpu.dma_semaphore, #tpu.memory_space<semaphore_mem>>)
    %dma_wait3A_313 = arith.constant 0 : i32
    %dma_wait3A_314 = tpu.memref_slice %arg3[%add3A_298, %dma_wait3A_313] : memref<32768x768xf32, #tpu.memory_space<hbm>> -> memref<64x768xf32, #tpu.memory_space<hbm>>
    %dma_wait3A_315 = arith.constant 0 : i32
    %dma_wait3A_316 = tpu.memref_slice %arg3[%add3A_298, %dma_wait3A_315] : memref<32768x768xf32, #tpu.memory_space<hbm>> -> memref<64x768xf32, #tpu.memory_space<hbm>>
    tpu.wait_dma2 semaphore(%arg8 : memref<!tpu.dma_semaphore, #tpu.memory_space<semaphore_mem>>) src(%arg4 : memref<64x768xf32, #tpu.memory_space<vmem>>) dst(%dma_wait3A_316 : memref<64x768xf32, #tpu.memory_space<hbm>>)
    %dma_wait3A_317 = arith.constant 0 : i32
    %dma_wait3A_318 = tpu.memref_slice %arg3[%add3A_308, %dma_wait3A_317] : memref<32768x768xf32, #tpu.memory_space<hbm>> -> memref<64x768xf32, #tpu.memory_space<hbm>>
    %dma_wait3A_319 = arith.constant 0 : i32
    %dma_wait3A_320 = tpu.memref_slice %arg3[%add3A_308, %dma_wait3A_319] : memref<32768x768xf32, #tpu.memory_space<hbm>> -> memref<64x768xf32, #tpu.memory_space<hbm>>
    tpu.wait_dma2 semaphore(%arg9 : memref<!tpu.dma_semaphore, #tpu.memory_space<semaphore_mem>>) src(%arg5 : memref<64x768xf32, #tpu.memory_space<vmem>>) dst(%dma_wait3A_320 : memref<64x768xf32, #tpu.memory_space<hbm>>)
    return
  }
}

module attributes {stable_mosaic.version = 14 : i64} {
  func.func @_k1_body(%arg0: i32, %arg1: i32, %arg2: memref<1x1024x768xf32, #tpu.memory_space<vmem>>, %arg3: memref<768x1xf32, #tpu.memory_space<vmem>>, %arg4: memref<1x1024x1xf32, #tpu.memory_space<vmem>>) attributes {dimension_semantics = [#tpu.dimension_semantics<arbitrary>, #tpu.dimension_semantics<arbitrary>], iteration_bounds = array<i64: 4, 8>, scalar_prefetch = 0 : i64, scratch_operands = 0 : i64, tpu.core_type = #tpu.core_type<tc>, window_params = [{transform_indices = @transform_0, window_bounds = array<i64: 1, 1024, 768>}, {pipeline_mode = #tpu.pipeline_mode<synchronous>, transform_indices = @transform_1, window_bounds = array<i64: 768, 1>}, {transform_indices = @transform_2, window_bounds = array<i64: 1, 1024, 1>}]} {
    %get3A = arith.constant 0 : index
    %get3A_0 = arith.constant 0 : index
    %get3A_1 = arith.constant 0 : index
    %get3A_2 = vector.load %arg2[%get3A, %get3A_0, %get3A_1] : memref<1x1024x768xf32, #tpu.memory_space<vmem>>, vector<1x1024x768xf32>
    %get3A_3 = vector.shape_cast %get3A_2 : vector<1x1024x768xf32> to vector<1024x768xf32>
    %get3A_4 = arith.constant 0 : index
    %get3A_5 = arith.constant 0 : index
    %get3A_6 = vector.load %arg3[%get3A_4, %get3A_5] : memref<768x1xf32, #tpu.memory_space<vmem>>, vector<768x1xf32>
    %dot_general3A = arith.constant dense<0.000000e+00> : vector<1024x1xf32>
    %dot_general3A_7 = tpu.matmul %get3A_3, %get3A_6, %dot_general3A {dimension_numbers = #tpu.dot_dimension_numbers<[1], [0], [0], [1], [0, 0, 1, 1], [], []>, transpose_lhs_hint = false} : vector<1024x768xf32>, vector<768x1xf32>, vector<1024x1xf32> -> vector<1024x1xf32>
    %swap3A = arith.constant 0 : index
    %swap3A_8 = arith.constant 0 : index
    %swap3A_9 = arith.constant 0 : index
    %swap3A_10 = vector.load %arg4[%swap3A, %swap3A_8, %swap3A_9] : memref<1x1024x1xf32, #tpu.memory_space<vmem>>, vector<1x1024x1xf32>
    %swap3A_11 = vector.shape_cast %swap3A_10 : vector<1x1024x1xf32> to vector<1024x1xf32>
    %swap3A_12 = vector.shape_cast %dot_general3A_7 : vector<1024x1xf32> to vector<1x1024x1xf32>
    tpu.vector_store %arg4[%swap3A, %swap3A_8, %swap3A_9], %swap3A_12 {strides = array<i32>} : memref<1x1024x1xf32, #tpu.memory_space<vmem>>, vector<1x1024x1xf32>,
    return
  }
  func.func @transform_0(%arg0: i32, %arg1: i32) -> (i32, i32, i32) {
    %c0_i32 = arith.constant 0 : i32
    %c0_i32_0 = arith.constant 0 : i32
    return %arg0, %arg1, %c0_i32 : i32, i32, i32
  }
  func.func @transform_1(%arg0: i32, %arg1: i32) -> (i32, i32) {
    %c0_i32 = arith.constant 0 : i32
    %c0_i32_0 = arith.constant 0 : i32
    %c0_i32_1 = arith.constant 0 : i32
    return %c0_i32, %c0_i32_0 : i32, i32
  }
  func.func @transform_2(%arg0: i32, %arg1: i32) -> (i32, i32, i32) {
    %c0_i32 = arith.constant 0 : i32
    %c0_i32_0 = arith.constant 0 : i32
    return %arg0, %arg1, %c0_i32 : i32, i32, i32
  }
}

module attributes {stable_mosaic.version = 14 : i64} {
  func.func @_d1_body(%arg0: i32, %arg1: memref<1x832x768xf32, #tpu.memory_space<vmem>>, %arg2: memref<1x1x768xf32, #tpu.memory_space<vmem>>, %arg3: memref<768x4608xf32, #tpu.memory_space<vmem>>, %arg4: memref<1x4608xf32, #tpu.memory_space<vmem>>, %arg5: memref<768x2304xf32, #tpu.memory_space<vmem>>, %arg6: memref<1x2304xf32, #tpu.memory_space<vmem>>, %arg7: memref<1x832x2304xf32, #tpu.memory_space<vmem>>, %arg8: memref<1x1x4608xf32, #tpu.memory_space<vmem>>) attributes {dimension_semantics = [#tpu.dimension_semantics<arbitrary>], iteration_bounds = array<i64: 4>, scalar_prefetch = 0 : i64, scratch_operands = 0 : i64, tpu.core_type = #tpu.core_type<tc>, window_params = [{transform_indices = @transform_0, window_bounds = array<i64: 1, 832, 768>}, {transform_indices = @transform_1, window_bounds = array<i64: 1, 1, 768>}, {pipeline_mode = #tpu.pipeline_mode<synchronous>, transform_indices = @transform_2, window_bounds = array<i64: 768, 4608>}, {pipeline_mode = #tpu.pipeline_mode<synchronous>, transform_indices = @transform_3, window_bounds = array<i64: 1, 4608>}, {pipeline_mode = #tpu.pipeline_mode<synchronous>, transform_indices = @transform_4, window_bounds = array<i64: 768, 2304>}, {pipeline_mode = #tpu.pipeline_mode<synchronous>, transform_indices = @transform_5, window_bounds = array<i64: 1, 2304>}, {transform_indices = @transform_6, window_bounds = array<i64: 1, 832, 2304>}, {transform_indices = @transform_7, window_bounds = array<i64: 1, 1, 4608>}]} {
    %get3A = arith.constant 0 : index
    %get3A_0 = arith.constant 0 : index
    %get3A_1 = arith.constant 0 : index
    %get3A_2 = vector.load %arg2[%get3A, %get3A_0, %get3A_1] : memref<1x1x768xf32, #tpu.memory_space<vmem>>, vector<1x1x768xf32>
    %get3A_3 = vector.shape_cast %get3A_2 : vector<1x1x768xf32> to vector<1x768xf32>
    %logistic3A = arith.negf %get3A_3 : vector<1x768xf32>
    %logistic3A_4 = math.exp %logistic3A : vector<1x768xf32>
    %logistic3A_5 = arith.constant 1.000000e+00 : f32
    %logistic3A_6 = vector.broadcast %logistic3A_5 : f32 to vector<1x768xf32>
    %logistic3A_7 = arith.addf %logistic3A_6, %logistic3A_4 : vector<1x768xf32>
    %logistic3A_8 = arith.divf %logistic3A_6, %logistic3A_7 : vector<1x768xf32>
    %mul3A = arith.mulf %get3A_3, %logistic3A_8 : vector<1x768xf32>
    %get3A_9 = arith.constant 0 : index
    %get3A_10 = arith.constant 0 : index
    %get3A_11 = vector.load %arg3[%get3A_9, %get3A_10] : memref<768x4608xf32, #tpu.memory_space<vmem>>, vector<768x4608xf32>
    %dot_general3A = arith.constant dense<0.000000e+00> : vector<1x4608xf32>
    %dot_general3A_12 = tpu.matmul %mul3A, %get3A_11, %dot_general3A {dimension_numbers = #tpu.dot_dimension_numbers<[1], [0], [0], [1], [0, 0, 1, 1], [], []>, transpose_lhs_hint = false} : vector<1x768xf32>, vector<768x4608xf32>, vector<1x4608xf32> -> vector<1x4608xf32>
    %get3A_13 = arith.constant 0 : index
    %get3A_14 = arith.constant 0 : index
    %get3A_15 = vector.load %arg4[%get3A_13, %get3A_14] : memref<1x4608xf32, #tpu.memory_space<vmem>>, vector<1x4608xf32>
    %add3A = arith.addf %dot_general3A_12, %get3A_15 : vector<1x4608xf32>
    %slice3A = vector.extract_strided_slice %add3A {offsets = [0, 0], sizes = [1, 768], strides = [1, 1]} : vector<1x4608xf32> to vector<1x768xf32>
    %slice3A_16 = vector.extract_strided_slice %add3A {offsets = [0, 768], sizes = [1, 768], strides = [1, 1]} : vector<1x4608xf32> to vector<1x768xf32>
    %get3A_17 = arith.constant 0 : index
    %get3A_18 = arith.constant 0 : index
    %get3A_19 = arith.constant 0 : index
    %get3A_20 = vector.load %arg1[%get3A_17, %get3A_18, %get3A_19] : memref<1x832x768xf32, #tpu.memory_space<vmem>>, vector<1x832x768xf32>
    %get3A_21 = vector.shape_cast %get3A_20 : vector<1x832x768xf32> to vector<832x768xf32>
    %reduce_sum3A = arith.constant dense<0.000000e+00> : vector<832xf32>
    %reduce_sum3A_22 = vector.multi_reduction <add>, %get3A_21, %reduce_sum3A [1] : vector<832x768xf32> to vector<832xf32>
    %broadcast_in_dim3A = vector.shape_cast %reduce_sum3A_22 : vector<832xf32> to vector<832x1xf32>
    %div3A = arith.constant 7.680000e+02 : f32
    %div3A_23 = vector.broadcast %div3A : f32 to vector<832x1xf32>
    %div3A_24 = arith.divf %broadcast_in_dim3A, %div3A_23 : vector<832x1xf32>
    %sub3A = vector.broadcast %div3A_24 : vector<832x1xf32> to vector<832x768xf32>
    %sub3A_25 = arith.subf %get3A_21, %sub3A : vector<832x768xf32>
    %integer_pow3A = arith.mulf %sub3A_25, %sub3A_25 : vector<832x768xf32>
    %reduce_sum3A_26 = arith.constant dense<0.000000e+00> : vector<832xf32>
    %reduce_sum3A_27 = vector.multi_reduction <add>, %integer_pow3A, %reduce_sum3A_26 [1] : vector<832x768xf32> to vector<832xf32>
    %broadcast_in_dim3A_28 = vector.shape_cast %reduce_sum3A_27 : vector<832xf32> to vector<832x1xf32>
    %div3A_29 = arith.constant 7.680000e+02 : f32
    %div3A_30 = vector.broadcast %div3A_29 : f32 to vector<832x1xf32>
    %div3A_31 = arith.divf %broadcast_in_dim3A_28, %div3A_30 : vector<832x1xf32>
    %sub3A_32 = vector.broadcast %div3A_24 : vector<832x1xf32> to vector<832x768xf32>
    %sub3A_33 = arith.subf %get3A_21, %sub3A_32 : vector<832x768xf32>
    %add3A_34 = arith.constant 9.99999997E-7 : f32
    %add3A_35 = vector.broadcast %add3A_34 : f32 to vector<832x1xf32>
    %add3A_36 = arith.addf %div3A_31, %add3A_35 : vector<832x1xf32>
    %sqrt3A = math.sqrt %add3A_36 : vector<832x1xf32>
    %div3A_37 = vector.broadcast %sqrt3A : vector<832x1xf32> to vector<832x768xf32>
    %div3A_38 = arith.divf %sub3A_33, %div3A_37 : vector<832x768xf32>
    %add3A_39 = arith.constant 1.000000e+00 : f32
    %add3A_40 = vector.broadcast %add3A_39 : f32 to vector<1x768xf32>
    %add3A_41 = arith.addf %add3A_40, %slice3A_16 : vector<1x768xf32>
    %mul3A_42 = vector.broadcast %add3A_41 : vector<1x768xf32> to vector<832x768xf32>
    %mul3A_43 = arith.mulf %div3A_38, %mul3A_42 : vector<832x768xf32>
    %add3A_44 = vector.broadcast %slice3A : vector<1x768xf32> to vector<832x768xf32>
    %add3A_45 = arith.addf %mul3A_43, %add3A_44 : vector<832x768xf32>
    %get3A_46 = arith.constant 0 : index
    %get3A_47 = arith.constant 0 : index
    %get3A_48 = vector.load %arg5[%get3A_46, %get3A_47] : memref<768x2304xf32, #tpu.memory_space<vmem>>, vector<768x2304xf32>
    %dot_general3A_49 = arith.constant dense<0.000000e+00> : vector<832x2304xf32>
    %dot_general3A_50 = tpu.matmul %add3A_45, %get3A_48, %dot_general3A_49 {dimension_numbers = #tpu.dot_dimension_numbers<[1], [0], [0], [1], [0, 0, 1, 1], [], []>, transpose_lhs_hint = false} : vector<832x768xf32>, vector<768x2304xf32>, vector<832x2304xf32> -> vector<832x2304xf32>
    %get3A_51 = arith.constant 0 : index
    %get3A_52 = arith.constant 0 : index
    %get3A_53 = vector.load %arg6[%get3A_51, %get3A_52] : memref<1x2304xf32, #tpu.memory_space<vmem>>, vector<1x2304xf32>
    %add3A_54 = vector.broadcast %get3A_53 : vector<1x2304xf32> to vector<832x2304xf32>
    %add3A_55 = arith.addf %dot_general3A_50, %add3A_54 : vector<832x2304xf32>
    %swap3A = arith.constant 0 : index
    %swap3A_56 = arith.constant 0 : index
    %swap3A_57 = arith.constant 0 : index
    %swap3A_58 = vector.load %arg7[%swap3A, %swap3A_56, %swap3A_57] : memref<1x832x2304xf32, #tpu.memory_space<vmem>>, vector<1x832x2304xf32>
    %swap3A_59 = vector.shape_cast %swap3A_58 : vector<1x832x2304xf32> to vector<832x2304xf32>
    %swap3A_60 = vector.shape_cast %add3A_55 : vector<832x2304xf32> to vector<1x832x2304xf32>
    tpu.vector_store %arg7[%swap3A, %swap3A_56, %swap3A_57], %swap3A_60 {strides = array<i32>} : memref<1x832x2304xf32, #tpu.memory_space<vmem>>, vector<1x832x2304xf32>,
    %swap3A_61 = arith.constant 0 : index
    %swap3A_62 = arith.constant 0 : index
    %swap3A_63 = arith.constant 0 : index
    %swap3A_64 = vector.load %arg8[%swap3A_61, %swap3A_62, %swap3A_63] : memref<1x1x4608xf32, #tpu.memory_space<vmem>>, vector<1x1x4608xf32>
    %swap3A_65 = vector.shape_cast %swap3A_64 : vector<1x1x4608xf32> to vector<1x4608xf32>
    %swap3A_66 = vector.shape_cast %add3A : vector<1x4608xf32> to vector<1x1x4608xf32>
    tpu.vector_store %arg8[%swap3A_61, %swap3A_62, %swap3A_63], %swap3A_66 {strides = array<i32>} : memref<1x1x4608xf32, #tpu.memory_space<vmem>>, vector<1x1x4608xf32>,
    return
  }
  func.func @transform_0(%arg0: i32) -> (i32, i32, i32) {
    %c0_i32 = arith.constant 0 : i32
    %c0_i32_0 = arith.constant 0 : i32
    %c0_i32_1 = arith.constant 0 : i32
    return %arg0, %c0_i32, %c0_i32_0 : i32, i32, i32
  }
  func.func @transform_1(%arg0: i32) -> (i32, i32, i32) {
    %c0_i32 = arith.constant 0 : i32
    %c0_i32_0 = arith.constant 0 : i32
    %c0_i32_1 = arith.constant 0 : i32
    return %arg0, %c0_i32, %c0_i32_0 : i32, i32, i32
  }
  func.func @transform_2(%arg0: i32) -> (i32, i32) {
    %c0_i32 = arith.constant 0 : i32
    %c0_i32_0 = arith.constant 0 : i32
    %c0_i32_1 = arith.constant 0 : i32
    return %c0_i32, %c0_i32_0 : i32, i32
  }
  func.func @transform_3(%arg0: i32) -> (i32, i32) {
    %c0_i32 = arith.constant 0 : i32
    %c0_i32_0 = arith.constant 0 : i32
    %c0_i32_1 = arith.constant 0 : i32
    return %c0_i32, %c0_i32_0 : i32, i32
  }
  func.func @transform_4(%arg0: i32) -> (i32, i32) {
    %c0_i32 = arith.constant 0 : i32
    %c0_i32_0 = arith.constant 0 : i32
    %c0_i32_1 = arith.constant 0 : i32
    return %c0_i32, %c0_i32_0 : i32, i32
  }
  func.func @transform_5(%arg0: i32) -> (i32, i32) {
    %c0_i32 = arith.constant 0 : i32
    %c0_i32_0 = arith.constant 0 : i32
    %c0_i32_1 = arith.constant 0 : i32
    return %c0_i32, %c0_i32_0 : i32, i32
  }
  func.func @transform_6(%arg0: i32) -> (i32, i32, i32) {
    %c0_i32 = arith.constant 0 : i32
    %c0_i32_0 = arith.constant 0 : i32
    %c0_i32_1 = arith.constant 0 : i32
    return %arg0, %c0_i32, %c0_i32_0 : i32, i32, i32
  }
  func.func @transform_7(%arg0: i32) -> (i32, i32, i32) {
    %c0_i32 = arith.constant 0 : i32
    %c0_i32_0 = arith.constant 0 : i32
    %c0_i32_1 = arith.constant 0 : i32
    return %arg0, %c0_i32, %c0_i32_0 : i32, i32, i32
  }
}

module attributes {stable_mosaic.version = 14 : i64} {
  func.func @_d2_body(%arg0: i32, %arg1: i32, %arg2: memref<1x832x128xf32, #tpu.memory_space<vmem>>, %arg3: memref<1x832x128xf32, #tpu.memory_space<vmem>>, %arg4: memref<1x832x128xf32, #tpu.memory_space<vmem>>, %arg5: memref<1x832x128xf32, #tpu.memory_space<vmem>>) attributes {dimension_semantics = [#tpu.dimension_semantics<arbitrary>, #tpu.dimension_semantics<arbitrary>], iteration_bounds = array<i64: 4, 6>, scalar_prefetch = 0 : i64, scratch_operands = 0 : i64, tpu.core_type = #tpu.core_type<tc>, window_params = [{transform_indices = @transform_0, window_bounds = array<i64: 1, 832, 128>}, {transform_indices = @transform_1, window_bounds = array<i64: 1, 832, 128>}, {transform_indices = @transform_2, window_bounds = array<i64: 1, 832, 128>}, {transform_indices = @transform_3, window_bounds = array<i64: 1, 832, 128>}]} {
    %get3A = arith.constant 0 : index
    %get3A_0 = arith.constant 0 : index
    %get3A_1 = arith.constant 0 : index
    %get3A_2 = vector.load %arg2[%get3A, %get3A_0, %get3A_1] : memref<1x832x128xf32, #tpu.memory_space<vmem>>, vector<1x832x64xf32>
    %get3A_3 = vector.shape_cast %get3A_2 : vector<1x832x64xf32> to vector<832x64xf32>
    %mul3A = arith.constant 1.250000e-01 : f32
    %mul3A_4 = vector.broadcast %mul3A : f32 to vector<832x64xf32>
    %mul3A_5 = arith.mulf %get3A_3, %mul3A_4 : vector<832x64xf32>
    %get3A_6 = arith.constant 0 : index
    %get3A_7 = arith.constant 0 : index
    %get3A_8 = arith.constant 0 : index
    %get3A_9 = vector.load %arg3[%get3A_6, %get3A_7, %get3A_8] : memref<1x832x128xf32, #tpu.memory_space<vmem>>, vector<1x832x64xf32>
    %get3A_10 = vector.shape_cast %get3A_9 : vector<1x832x64xf32> to vector<832x64xf32>
    %get3A_11 = arith.constant 0 : index
    %get3A_12 = arith.constant 0 : index
    %get3A_13 = arith.constant 0 : index
    %get3A_14 = vector.load %arg4[%get3A_11, %get3A_12, %get3A_13] : memref<1x832x128xf32, #tpu.memory_space<vmem>>, vector<1x832x64xf32>
    %get3A_15 = vector.shape_cast %get3A_14 : vector<1x832x64xf32> to vector<832x64xf32>
    %dot_general3A = arith.constant dense<0.000000e+00> : vector<832x832xf32>
    %dot_general3A_16 = tpu.matmul %mul3A_5, %get3A_10, %dot_general3A {dimension_numbers = #tpu.dot_dimension_numbers<[1], [1], [0], [0], [0, 0, 1, 0], [], []>, transpose_lhs_hint = false} : vector<832x64xf32>, vector<832x64xf32>, vector<832x832xf32> -> vector<832x832xf32>
    %iota3A = tpu.iota {dimensions = array<i32: 1>} : vector<832x832xi32>
    %lt3A = arith.constant 819 : i32
    %lt3A_17 = vector.broadcast %lt3A : i32 to vector<832x832xi32>
    %lt3A_18 = arith.cmpi slt, %iota3A, %lt3A_17 : vector<832x832xi32>
    %jit3A = arith.constant -1.000000e+30 : f32
    %broadcast_in_dim3A = vector.broadcast %jit3A : f32 to vector<832x832xf32>
    %select_n3A = arith.select %lt3A_18, %dot_general3A_16, %broadcast_in_dim3A : vector<832x832xi1>, vector<832x832xf32>
    %reduce_max3A = arith.constant dense<0xFF800000> : vector<832xf32>
    %reduce_max3A_19 = vector.multi_reduction <maximumf>, %select_n3A, %reduce_max3A [1] : vector<832x832xf32> to vector<832xf32>
    %broadcast_in_dim3A_20 = vector.shape_cast %reduce_max3A_19 : vector<832xf32> to vector<832x1xf32>
    %sub3A = vector.broadcast %broadcast_in_dim3A_20 : vector<832x1xf32> to vector<832x832xf32>
    %sub3A_21 = arith.subf %select_n3A, %sub3A : vector<832x832xf32>
    %exp3A = math.exp %sub3A_21 : vector<832x832xf32>
    %reduce_sum3A = arith.constant dense<0.000000e+00> : vector<832xf32>
    %reduce_sum3A_22 = vector.multi_reduction <add>, %exp3A, %reduce_sum3A [1] : vector<832x832xf32> to vector<832xf32>
    %broadcast_in_dim3A_23 = vector.shape_cast %reduce_sum3A_22 : vector<832xf32> to vector<832x1xf32>
    %div3A = vector.broadcast %broadcast_in_dim3A_23 : vector<832x1xf32> to vector<832x832xf32>
    %div3A_24 = arith.divf %exp3A, %div3A : vector<832x832xf32>
    %dot_general3A_25 = arith.constant dense<0.000000e+00> : vector<832x64xf32>
    %dot_general3A_26 = tpu.matmul %div3A_24, %get3A_15, %dot_general3A_25 {dimension_numbers = #tpu.dot_dimension_numbers<[1], [0], [0], [1], [0, 0, 1, 1], [], []>, transpose_lhs_hint = false} : vector<832x832xf32>, vector<832x64xf32>, vector<832x64xf32> -> vector<832x64xf32>
    %get3A_27 = arith.constant 0 : index
    %get3A_28 = arith.constant 0 : index
    %get3A_29 = arith.constant 64 : index
    %get3A_30 = vector.load %arg2[%get3A_27, %get3A_28, %get3A_29] : memref<1x832x128xf32, #tpu.memory_space<vmem>>, vector<1x832x64xf32>
    %get3A_31 = vector.shape_cast %get3A_30 : vector<1x832x64xf32> to vector<832x64xf32>
    %mul3A_32 = arith.constant 1.250000e-01 : f32
    %mul3A_33 = vector.broadcast %mul3A_32 : f32 to vector<832x64xf32>
    %mul3A_34 = arith.mulf %get3A_31, %mul3A_33 : vector<832x64xf32>
    %get3A_35 = arith.constant 0 : index
    %get3A_36 = arith.constant 0 : index
    %get3A_37 = arith.constant 64 : index
    %get3A_38 = vector.load %arg3[%get3A_35, %get3A_36, %get3A_37] : memref<1x832x128xf32, #tpu.memory_space<vmem>>, vector<1x832x64xf32>
    %get3A_39 = vector.shape_cast %get3A_38 : vector<1x832x64xf32> to vector<832x64xf32>
    %get3A_40 = arith.constant 0 : index
    %get3A_41 = arith.constant 0 : index
    %get3A_42 = arith.constant 64 : index
    %get3A_43 = vector.load %arg4[%get3A_40, %get3A_41, %get3A_42] : memref<1x832x128xf32, #tpu.memory_space<vmem>>, vector<1x832x64xf32>
    %get3A_44 = vector.shape_cast %get3A_43 : vector<1x832x64xf32> to vector<832x64xf32>
    %dot_general3A_45 = arith.constant dense<0.000000e+00> : vector<832x832xf32>
    %dot_general3A_46 = tpu.matmul %mul3A_34, %get3A_39, %dot_general3A_45 {dimension_numbers = #tpu.dot_dimension_numbers<[1], [1], [0], [0], [0, 0, 1, 0], [], []>, transpose_lhs_hint = false} : vector<832x64xf32>, vector<832x64xf32>, vector<832x832xf32> -> vector<832x832xf32>
    %iota3A_47 = tpu.iota {dimensions = array<i32: 1>} : vector<832x832xi32>
    %lt3A_48 = arith.constant 819 : i32
    %lt3A_49 = vector.broadcast %lt3A_48 : i32 to vector<832x832xi32>
    %lt3A_50 = arith.cmpi slt, %iota3A_47, %lt3A_49 : vector<832x832xi32>
    %jit3A_51 = arith.constant -1.000000e+30 : f32
    %broadcast_in_dim3A_52 = vector.broadcast %jit3A_51 : f32 to vector<832x832xf32>
    %select_n3A_53 = arith.select %lt3A_50, %dot_general3A_46, %broadcast_in_dim3A_52 : vector<832x832xi1>, vector<832x832xf32>
    %reduce_max3A_54 = arith.constant dense<0xFF800000> : vector<832xf32>
    %reduce_max3A_55 = vector.multi_reduction <maximumf>, %select_n3A_53, %reduce_max3A_54 [1] : vector<832x832xf32> to vector<832xf32>
    %broadcast_in_dim3A_56 = vector.shape_cast %reduce_max3A_55 : vector<832xf32> to vector<832x1xf32>
    %sub3A_57 = vector.broadcast %broadcast_in_dim3A_56 : vector<832x1xf32> to vector<832x832xf32>
    %sub3A_58 = arith.subf %select_n3A_53, %sub3A_57 : vector<832x832xf32>
    %exp3A_59 = math.exp %sub3A_58 : vector<832x832xf32>
    %reduce_sum3A_60 = arith.constant dense<0.000000e+00> : vector<832xf32>
    %reduce_sum3A_61 = vector.multi_reduction <add>, %exp3A_59, %reduce_sum3A_60 [1] : vector<832x832xf32> to vector<832xf32>
    %broadcast_in_dim3A_62 = vector.shape_cast %reduce_sum3A_61 : vector<832xf32> to vector<832x1xf32>
    %div3A_63 = vector.broadcast %broadcast_in_dim3A_62 : vector<832x1xf32> to vector<832x832xf32>
    %div3A_64 = arith.divf %exp3A_59, %div3A_63 : vector<832x832xf32>
    %dot_general3A_65 = arith.constant dense<0.000000e+00> : vector<832x64xf32>
    %dot_general3A_66 = tpu.matmul %div3A_64, %get3A_44, %dot_general3A_65 {dimension_numbers = #tpu.dot_dimension_numbers<[1], [0], [0], [1], [0, 0, 1, 1], [], []>, transpose_lhs_hint = false} : vector<832x832xf32>, vector<832x64xf32>, vector<832x64xf32> -> vector<832x64xf32>
    %concatenate3A = tpu.concatenate %dot_general3A_26, %dot_general3A_66 in 1 : vector<832x64xf32>, vector<832x64xf32> -> vector<832x128xf32>
    %swap3A = arith.constant 0 : index
    %swap3A_67 = arith.constant 0 : index
    %swap3A_68 = arith.constant 0 : index
    %swap3A_69 = vector.load %arg5[%swap3A, %swap3A_67, %swap3A_68] : memref<1x832x128xf32, #tpu.memory_space<vmem>>, vector<1x832x128xf32>
    %swap3A_70 = vector.shape_cast %swap3A_69 : vector<1x832x128xf32> to vector<832x128xf32>
    %swap3A_71 = vector.shape_cast %concatenate3A : vector<832x128xf32> to vector<1x832x128xf32>
    tpu.vector_store %arg5[%swap3A, %swap3A_67, %swap3A_68], %swap3A_71 {strides = array<i32>} : memref<1x832x128xf32, #tpu.memory_space<vmem>>, vector<1x832x128xf32>,
    return
  }
  func.func @transform_0(%arg0: i32, %arg1: i32) -> (i32, i32, i32) {
    %c0_i32 = arith.constant 0 : i32
    %c0_i32_0 = arith.constant 0 : i32
    return %arg0, %c0_i32, %arg1 : i32, i32, i32
  }
  func.func @transform_1(%arg0: i32, %arg1: i32) -> (i32, i32, i32) {
    %add3A = arith.constant 6 : i32
    %add3A_0 = arith.addi %add3A, %arg1 : i32
    %c0_i32 = arith.constant 0 : i32
    %c0_i32_1 = arith.constant 0 : i32
    return %arg0, %c0_i32, %add3A_0 : i32, i32, i32
  }
  func.func @transform_2(%arg0: i32, %arg1: i32) -> (i32, i32, i32) {
    %add3A = arith.constant 12 : i32
    %add3A_0 = arith.addi %add3A, %arg1 : i32
    %c0_i32 = arith.constant 0 : i32
    %c0_i32_1 = arith.constant 0 : i32
    return %arg0, %c0_i32, %add3A_0 : i32, i32, i32
  }
  func.func @transform_3(%arg0: i32, %arg1: i32) -> (i32, i32, i32) {
    %c0_i32 = arith.constant 0 : i32
    %c0_i32_0 = arith.constant 0 : i32
    return %arg0, %c0_i32, %arg1 : i32, i32, i32
  }
}

module attributes {stable_mosaic.version = 14 : i64} {
  func.func @_d3_body(%arg0: i32, %arg1: memref<1x832x768xf32, #tpu.memory_space<vmem>>, %arg2: memref<1x832x768xf32, #tpu.memory_space<vmem>>, %arg3: memref<1x1x4608xf32, #tpu.memory_space<vmem>>, %arg4: memref<1x832x1xf32, #tpu.memory_space<vmem>>, %arg5: memref<768x768xf32, #tpu.memory_space<vmem>>, %arg6: memref<1x768xf32, #tpu.memory_space<vmem>>, %arg7: memref<768x3072xf32, #tpu.memory_space<vmem>>, %arg8: memref<1x3072xf32, #tpu.memory_space<vmem>>, %arg9: memref<3072x768xf32, #tpu.memory_space<vmem>>, %arg10: memref<1x768xf32, #tpu.memory_space<vmem>>, %arg11: memref<1x832x768xf32, #tpu.memory_space<vmem>>) attributes {dimension_semantics = [#tpu.dimension_semantics<arbitrary>], iteration_bounds = array<i64: 4>, scalar_prefetch = 0 : i64, scratch_operands = 0 : i64, tpu.core_type = #tpu.core_type<tc>, window_params = [{transform_indices = @transform_0, window_bounds = array<i64: 1, 832, 768>}, {transform_indices = @transform_1, window_bounds = array<i64: 1, 832, 768>}, {transform_indices = @transform_2, window_bounds = array<i64: 1, 1, 4608>}, {transform_indices = @transform_3, window_bounds = array<i64: 1, 832, 1>}, {pipeline_mode = #tpu.pipeline_mode<synchronous>, transform_indices = @transform_4, window_bounds = array<i64: 768, 768>}, {pipeline_mode = #tpu.pipeline_mode<synchronous>, transform_indices = @transform_5, window_bounds = array<i64: 1, 768>}, {pipeline_mode = #tpu.pipeline_mode<synchronous>, transform_indices = @transform_6, window_bounds = array<i64: 768, 3072>}, {pipeline_mode = #tpu.pipeline_mode<synchronous>, transform_indices = @transform_7, window_bounds = array<i64: 1, 3072>}, {pipeline_mode = #tpu.pipeline_mode<synchronous>, transform_indices = @transform_8, window_bounds = array<i64: 3072, 768>}, {pipeline_mode = #tpu.pipeline_mode<synchronous>, transform_indices = @transform_9, window_bounds = array<i64: 1, 768>}, {transform_indices = @transform_10, window_bounds = array<i64: 1, 832, 768>}]} {
    %get3A = arith.constant 0 : index
    %get3A_0 = arith.constant 0 : index
    %get3A_1 = arith.constant 0 : index
    %get3A_2 = vector.load %arg3[%get3A, %get3A_0, %get3A_1] : memref<1x1x4608xf32, #tpu.memory_space<vmem>>, vector<1x1x4608xf32>
    %get3A_3 = vector.shape_cast %get3A_2 : vector<1x1x4608xf32> to vector<1x4608xf32>
    %slice3A = vector.extract_strided_slice %get3A_3 {offsets = [0, 1536], sizes = [1, 768], strides = [1, 1]} : vector<1x4608xf32> to vector<1x768xf32>
    %slice3A_4 = vector.extract_strided_slice %get3A_3 {offsets = [0, 2304], sizes = [1, 768], strides = [1, 1]} : vector<1x4608xf32> to vector<1x768xf32>
    %slice3A_5 = vector.extract_strided_slice %get3A_3 {offsets = [0, 3072], sizes = [1, 768], strides = [1, 1]} : vector<1x4608xf32> to vector<1x768xf32>
    %slice3A_6 = vector.extract_strided_slice %get3A_3 {offsets = [0, 3840], sizes = [1, 768], strides = [1, 1]} : vector<1x4608xf32> to vector<1x768xf32>
    %get3A_7 = arith.constant 0 : index
    %get3A_8 = arith.constant 0 : index
    %get3A_9 = arith.constant 0 : index
    %get3A_10 = vector.load %arg1[%get3A_7, %get3A_8, %get3A_9] : memref<1x832x768xf32, #tpu.memory_space<vmem>>, vector<1x832x768xf32>
    %get3A_11 = vector.shape_cast %get3A_10 : vector<1x832x768xf32> to vector<832x768xf32>
    %get3A_12 = arith.constant 0 : index
    %get3A_13 = arith.constant 0 : index
    %get3A_14 = arith.constant 0 : index
    %get3A_15 = vector.load %arg2[%get3A_12, %get3A_13, %get3A_14] : memref<1x832x768xf32, #tpu.memory_space<vmem>>, vector<1x832x768xf32>
    %get3A_16 = vector.shape_cast %get3A_15 : vector<1x832x768xf32> to vector<832x768xf32>
    %get3A_17 = arith.constant 0 : index
    %get3A_18 = arith.constant 0 : index
    %get3A_19 = vector.load %arg5[%get3A_17, %get3A_18] : memref<768x768xf32, #tpu.memory_space<vmem>>, vector<768x768xf32>
    %dot_general3A = arith.constant dense<0.000000e+00> : vector<832x768xf32>
    %dot_general3A_20 = tpu.matmul %get3A_16, %get3A_19, %dot_general3A {dimension_numbers = #tpu.dot_dimension_numbers<[1], [0], [0], [1], [0, 0, 1, 1], [], []>, transpose_lhs_hint = false} : vector<832x768xf32>, vector<768x768xf32>, vector<832x768xf32> -> vector<832x768xf32>
    %get3A_21 = arith.constant 0 : index
    %get3A_22 = arith.constant 0 : index
    %get3A_23 = vector.load %arg6[%get3A_21, %get3A_22] : memref<1x768xf32, #tpu.memory_space<vmem>>, vector<1x768xf32>
    %add3A = vector.broadcast %get3A_23 : vector<1x768xf32> to vector<832x768xf32>
    %add3A_24 = arith.addf %dot_general3A_20, %add3A : vector<832x768xf32>
    %mul3A = vector.broadcast %slice3A : vector<1x768xf32> to vector<832x768xf32>
    %mul3A_25 = arith.mulf %mul3A, %add3A_24 : vector<832x768xf32>
    %add3A_26 = arith.addf %get3A_11, %mul3A_25 : vector<832x768xf32>
    %reduce_sum3A = arith.constant dense<0.000000e+00> : vector<832xf32>
    %reduce_sum3A_27 = vector.multi_reduction <add>, %add3A_26, %reduce_sum3A [1] : vector<832x768xf32> to vector<832xf32>
    %broadcast_in_dim3A = vector.shape_cast %reduce_sum3A_27 : vector<832xf32> to vector<832x1xf32>
    %div3A = arith.constant 7.680000e+02 : f32
    %div3A_28 = vector.broadcast %div3A : f32 to vector<832x1xf32>
    %div3A_29 = arith.divf %broadcast_in_dim3A, %div3A_28 : vector<832x1xf32>
    %sub3A = vector.broadcast %div3A_29 : vector<832x1xf32> to vector<832x768xf32>
    %sub3A_30 = arith.subf %add3A_26, %sub3A : vector<832x768xf32>
    %integer_pow3A = arith.mulf %sub3A_30, %sub3A_30 : vector<832x768xf32>
    %reduce_sum3A_31 = arith.constant dense<0.000000e+00> : vector<832xf32>
    %reduce_sum3A_32 = vector.multi_reduction <add>, %integer_pow3A, %reduce_sum3A_31 [1] : vector<832x768xf32> to vector<832xf32>
    %broadcast_in_dim3A_33 = vector.shape_cast %reduce_sum3A_32 : vector<832xf32> to vector<832x1xf32>
    %div3A_34 = arith.constant 7.680000e+02 : f32
    %div3A_35 = vector.broadcast %div3A_34 : f32 to vector<832x1xf32>
    %div3A_36 = arith.divf %broadcast_in_dim3A_33, %div3A_35 : vector<832x1xf32>
    %sub3A_37 = vector.broadcast %div3A_29 : vector<832x1xf32> to vector<832x768xf32>
    %sub3A_38 = arith.subf %add3A_26, %sub3A_37 : vector<832x768xf32>
    %add3A_39 = arith.constant 9.99999997E-7 : f32
    %add3A_40 = vector.broadcast %add3A_39 : f32 to vector<832x1xf32>
    %add3A_41 = arith.addf %div3A_36, %add3A_40 : vector<832x1xf32>
    %sqrt3A = math.sqrt %add3A_41 : vector<832x1xf32>
    %div3A_42 = vector.broadcast %sqrt3A : vector<832x1xf32> to vector<832x768xf32>
    %div3A_43 = arith.divf %sub3A_38, %div3A_42 : vector<832x768xf32>
    %add3A_44 = arith.constant 1.000000e+00 : f32
    %add3A_45 = vector.broadcast %add3A_44 : f32 to vector<1x768xf32>
    %add3A_46 = arith.addf %add3A_45, %slice3A_5 : vector<1x768xf32>
    %mul3A_47 = vector.broadcast %add3A_46 : vector<1x768xf32> to vector<832x768xf32>
    %mul3A_48 = arith.mulf %div3A_43, %mul3A_47 : vector<832x768xf32>
    %add3A_49 = vector.broadcast %slice3A_4 : vector<1x768xf32> to vector<832x768xf32>
    %add3A_50 = arith.addf %mul3A_48, %add3A_49 : vector<832x768xf32>
    %get3A_51 = arith.constant 0 : index
    %get3A_52 = arith.constant 0 : index
    %get3A_53 = vector.load %arg7[%get3A_51, %get3A_52] : memref<768x3072xf32, #tpu.memory_space<vmem>>, vector<768x3072xf32>
    %dot_general3A_54 = arith.constant dense<0.000000e+00> : vector<832x3072xf32>
    %dot_general3A_55 = tpu.matmul %add3A_50, %get3A_53, %dot_general3A_54 {dimension_numbers = #tpu.dot_dimension_numbers<[1], [0], [0], [1], [0, 0, 1, 1], [], []>, transpose_lhs_hint = false} : vector<832x768xf32>, vector<768x3072xf32>, vector<832x3072xf32> -> vector<832x3072xf32>
    %get3A_56 = arith.constant 0 : index
    %get3A_57 = arith.constant 0 : index
    %get3A_58 = vector.load %arg8[%get3A_56, %get3A_57] : memref<1x3072xf32, #tpu.memory_space<vmem>>, vector<1x3072xf32>
    %add3A_59 = vector.broadcast %get3A_58 : vector<1x3072xf32> to vector<832x3072xf32>
    %add3A_60 = arith.addf %dot_general3A_55, %add3A_59 : vector<832x3072xf32>
    %mul3A_61 = arith.constant 5.000000e-01 : f32
    %mul3A_62 = vector.broadcast %mul3A_61 : f32 to vector<832x3072xf32>
    %mul3A_63 = arith.mulf %mul3A_62, %add3A_60 : vector<832x3072xf32>
    %sqrt3A_64 = arith.constant 0.636619746 : f32
    %sqrt3A_65 = math.sqrt %sqrt3A_64 : f32
    %integer_pow3A_66 = arith.mulf %add3A_60, %add3A_60 : vector<832x3072xf32>
    %integer_pow3A_67 = arith.mulf %add3A_60, %integer_pow3A_66 : vector<832x3072xf32>
    %mul3A_68 = arith.constant 4.471500e-02 : f32
    %mul3A_69 = vector.broadcast %mul3A_68 : f32 to vector<832x3072xf32>
    %mul3A_70 = arith.mulf %mul3A_69, %integer_pow3A_67 : vector<832x3072xf32>
    %add3A_71 = arith.addf %add3A_60, %mul3A_70 : vector<832x3072xf32>
    %mul3A_72 = vector.broadcast %sqrt3A_65 : f32 to vector<832x3072xf32>
    %mul3A_73 = arith.mulf %mul3A_72, %add3A_71 : vector<832x3072xf32>
    %tanh3A = math.tanh %mul3A_73 : vector<832x3072xf32>
    %add3A_74 = arith.constant 1.000000e+00 : f32
    %add3A_75 = vector.broadcast %add3A_74 : f32 to vector<832x3072xf32>
    %add3A_76 = arith.addf %add3A_75, %tanh3A : vector<832x3072xf32>
    %mul3A_77 = arith.mulf %mul3A_63, %add3A_76 : vector<832x3072xf32>
    %get3A_78 = arith.constant 0 : index
    %get3A_79 = arith.constant 0 : index
    %get3A_80 = vector.load %arg9[%get3A_78, %get3A_79] : memref<3072x768xf32, #tpu.memory_space<vmem>>, vector<3072x768xf32>
    %dot_general3A_81 = arith.constant dense<0.000000e+00> : vector<832x768xf32>
    %dot_general3A_82 = tpu.matmul %mul3A_77, %get3A_80, %dot_general3A_81 {dimension_numbers = #tpu.dot_dimension_numbers<[1], [0], [0], [1], [0, 0, 1, 1], [], []>, transpose_lhs_hint = false} : vector<832x3072xf32>, vector<3072x768xf32>, vector<832x768xf32> -> vector<832x768xf32>
    %get3A_83 = arith.constant 0 : index
    %get3A_84 = arith.constant 0 : index
    %get3A_85 = vector.load %arg10[%get3A_83, %get3A_84] : memref<1x768xf32, #tpu.memory_space<vmem>>, vector<1x768xf32>
    %add3A_86 = vector.broadcast %get3A_85 : vector<1x768xf32> to vector<832x768xf32>
    %add3A_87 = arith.addf %dot_general3A_82, %add3A_86 : vector<832x768xf32>
    %get3A_88 = arith.constant 0 : index
    %get3A_89 = arith.constant 0 : index
    %get3A_90 = arith.constant 0 : index
    %get3A_91 = vector.load %arg4[%get3A_88, %get3A_89, %get3A_90] : memref<1x832x1xf32, #tpu.memory_space<vmem>>, vector<1x832x1xf32>
    %get3A_92 = vector.shape_cast %get3A_91 : vector<1x832x1xf32> to vector<832x1xf32>
    %logistic3A = arith.negf %get3A_92 : vector<832x1xf32>
    %logistic3A_93 = math.exp %logistic3A : vector<832x1xf32>
    %logistic3A_94 = arith.constant 1.000000e+00 : f32
    %logistic3A_95 = vector.broadcast %logistic3A_94 : f32 to vector<832x1xf32>
    %logistic3A_96 = arith.addf %logistic3A_95, %logistic3A_93 : vector<832x1xf32>
    %logistic3A_97 = arith.divf %logistic3A_95, %logistic3A_96 : vector<832x1xf32>
    %mul3A_98 = vector.broadcast %slice3A_6 : vector<1x768xf32> to vector<832x768xf32>
    %mul3A_99 = arith.mulf %mul3A_98, %add3A_87 : vector<832x768xf32>
    %mul3A_100 = vector.broadcast %logistic3A_97 : vector<832x1xf32> to vector<832x768xf32>
    %mul3A_101 = arith.mulf %mul3A_100, %mul3A_99 : vector<832x768xf32>
    %add3A_102 = arith.addf %add3A_26, %mul3A_101 : vector<832x768xf32>
    %swap3A = arith.constant 0 : index
    %swap3A_103 = arith.constant 0 : index
    %swap3A_104 = arith.constant 0 : index
    %swap3A_105 = vector.load %arg11[%swap3A, %swap3A_103, %swap3A_104] : memref<1x832x768xf32, #tpu.memory_space<vmem>>, vector<1x832x768xf32>
    %swap3A_106 = vector.shape_cast %swap3A_105 : vector<1x832x768xf32> to vector<832x768xf32>
    %swap3A_107 = vector.shape_cast %add3A_102 : vector<832x768xf32> to vector<1x832x768xf32>
    tpu.vector_store %arg11[%swap3A, %swap3A_103, %swap3A_104], %swap3A_107 {strides = array<i32>} : memref<1x832x768xf32, #tpu.memory_space<vmem>>, vector<1x832x768xf32>,
    return
  }
  func.func @transform_0(%arg0: i32) -> (i32, i32, i32) {
    %c0_i32 = arith.constant 0 : i32
    %c0_i32_0 = arith.constant 0 : i32
    %c0_i32_1 = arith.constant 0 : i32
    return %arg0, %c0_i32, %c0_i32_0 : i32, i32, i32
  }
  func.func @transform_1(%arg0: i32) -> (i32, i32, i32) {
    %c0_i32 = arith.constant 0 : i32
    %c0_i32_0 = arith.constant 0 : i32
    %c0_i32_1 = arith.constant 0 : i32
    return %arg0, %c0_i32, %c0_i32_0 : i32, i32, i32
  }
  func.func @transform_2(%arg0: i32) -> (i32, i32, i32) {
    %c0_i32 = arith.constant 0 : i32
    %c0_i32_0 = arith.constant 0 : i32
    %c0_i32_1 = arith.constant 0 : i32
    return %arg0, %c0_i32, %c0_i32_0 : i32, i32, i32
  }
  func.func @transform_3(%arg0: i32) -> (i32, i32, i32) {
    %c0_i32 = arith.constant 0 : i32
    %c0_i32_0 = arith.constant 0 : i32
    %c0_i32_1 = arith.constant 0 : i32
    return %arg0, %c0_i32, %c0_i32_0 : i32, i32, i32
  }
  func.func @transform_4(%arg0: i32) -> (i32, i32) {
    %c0_i32 = arith.constant 0 : i32
    %c0_i32_0 = arith.constant 0 : i32
    %c0_i32_1 = arith.constant 0 : i32
    return %c0_i32, %c0_i32_0 : i32, i32
  }
  func.func @transform_5(%arg0: i32) -> (i32, i32) {
    %c0_i32 = arith.constant 0 : i32
    %c0_i32_0 = arith.constant 0 : i32
    %c0_i32_1 = arith.constant 0 : i32
    return %c0_i32, %c0_i32_0 : i32, i32
  }
  func.func @transform_6(%arg0: i32) -> (i32, i32) {
    %c0_i32 = arith.constant 0 : i32
    %c0_i32_0 = arith.constant 0 : i32
    %c0_i32_1 = arith.constant 0 : i32
    return %c0_i32, %c0_i32_0 : i32, i32
  }
  func.func @transform_7(%arg0: i32) -> (i32, i32) {
    %c0_i32 = arith.constant 0 : i32
    %c0_i32_0 = arith.constant 0 : i32
    %c0_i32_1 = arith.constant 0 : i32
    return %c0_i32, %c0_i32_0 : i32, i32
  }
  func.func @transform_8(%arg0: i32) -> (i32, i32) {
    %c0_i32 = arith.constant 0 : i32
    %c0_i32_0 = arith.constant 0 : i32
    %c0_i32_1 = arith.constant 0 : i32
    return %c0_i32, %c0_i32_0 : i32, i32
  }
  func.func @transform_9(%arg0: i32) -> (i32, i32) {
    %c0_i32 = arith.constant 0 : i32
    %c0_i32_0 = arith.constant 0 : i32
    %c0_i32_1 = arith.constant 0 : i32
    return %c0_i32, %c0_i32_0 : i32, i32
  }
  func.func @transform_10(%arg0: i32) -> (i32, i32, i32) {
    %c0_i32 = arith.constant 0 : i32
    %c0_i32_0 = arith.constant 0 : i32
    %c0_i32_1 = arith.constant 0 : i32
    return %arg0, %c0_i32, %c0_i32_0 : i32, i32, i32
  }
}

</mosaic_0001>

<sc_bundles>
// kernel: kernel.12.cloned.1.call-start
scs
__scs_entry_jumppad:
0x0: {  	(pc) =	sbr.rel $0x88, $3  }
0x1: {  	(tag) =	ssettag $0x0;
	lr =	simm.s32 $0x1  }
0x2: {  	[smem:$0x3F94] =	sst lr;
	_ =	strace $0xD0000000  }
0x3: {  	_ = 	snop  }
0x4: {  	_ = 	snop  }
0x5: {  	_ = 	snop  }
0x6: {  	_ = 	snop  }
0x7: {  	_ = 	snop  }
__scs_overlays_trampoline_lowered:
0x8: {  	[smem:$0x3FA3] =	sst s0  }
0x9: {  	[smem:$0x3FA4] =	sst s1  }
0xa: {  	[smem:$0x3FA5] =	sst s2  }
0xb: {  	[smem:$0x3FA6] =	sst s3  }
0xc: {  	[smem:$0x3FA7] =	sst s4  }
0xd: {  	[smem:$0x3FA8] =	sst s5  }
0xe: {  	[smem:$0x3FA9] =	sst s6  }
0xf: {  	[smem:$0x3FAA] =	sst s7  }
0x10: {  	[smem:$0x3FAB] =	sst s8  }
0x11: {  	[smem:$0x3FAC] =	sst s9;
	s0 =	simm.s32 @!p0 $0x0  }
0x12: {  	s1 =	sld [smem:$0x3F92];
	s0 =	simm.s32 @p0 $0x1  }
0x13: {  	[smem:$0x3FAD] =	sst s0;
	s0 =	simm.s32 @!p1 $0x0  }
0x14: {  	s2 =	sld [smem:$0x3F91];
	s0 =	simm.s32 @p1 $0x1  }
0x15: {  	[smem:$0x3FAE] =	sst s0;
	s0 =	simm.s32 @!p2 $0x0  }
0x16: {  	s3 =	sld [smem:$0x3FDB];
	s0 =	simm.s32 @p2 $0x1  }
0x17: {  	s4 =	simm.s32 $0x1BF5;
	[smem:$0x3FB0] =	sst s0  }
0x18: {  	s0 =	sld [smem:$0x3F93];
	_ =	swait.ge [sflag:s4], $0x0  }
0x19: {  	s7 =	sld [smem:$0x3F94]  }
0x1a: {  	s8 =	sadd.s32 $0xFFFFE003, lr  }
0x1b: {  	s9 =	sadd.s32 $0xFFFFFEF7, lr;
	s5 =	simm.s32 $0xFFFFFFFF;
	p2 =	slt.u32 s8, $0xFFFFF086  }
0x1c: {  	p1 =	slt.u32 s9, $0xF7A;
	s5 =	simm.s32 @!p2 $0x0  }
0x1d: {  	s5 =	simm.s32 @p1 $0x1;
	p0 =	seq.s32 s7, s2  }
0x1e: {  	s7 =	smul.u32 @!p0 $0xF7A, s2;
	p2 =	seq.s32 @!p0 s5, $0x0  }
0x1f: {  	s9 =	smul.u32 $0xF7A, s1;
	s8 =	simm.s32 @!p0 $0x1BF5;
	p2 =	por !p2, p0  }
0x20: {  	[sflag:s8] =	ssyncset.s32 @!p0 $0xFFFFF086;
	s6 =	sadd.s32 @!p0 s3, s7;
	s7 =	simm.s32 @!p0 $0x108  }
0x21: {  	s3 =	sadd.s32 s3, s9;
	s6 =	sadd.s32 @!p0 $0x88, s6;
	s7 =	simm.s32 @p2 $0x1082  }
0x22: {  	[simem:s7], [sflag:s8] =	dma.local @!p0 [hbm:s6], $0xF7A  }
0x23: {  	s9 =	sor.u32 $0xD0000000, s2;
	s6 =	simm.s32 $0x108;
	_ =	swait.ge @!p0 [sflag:s8], $0x0  }
0x24: {  	s3 =	sadd.s32 $0x88, s3;
	s6 =	simm.s32 @!p1 $0x1082;
	[sflag:s4] =	ssyncset.s32 $0xFFFFF086  }
0x25: {  	[simem:s6], [sflag:s4] =	dma.local [hbm:s3], $0xF7A  }
0x26: {  	[smem:$0x3F94] =	sst s1;
	(tag) =	ssettag s2;
	_ =	strace s9  }
0x27: {  	s1 =	sld [smem:$0x3FA4]  }
0x28: {  	s2 =	sld [smem:$0x3FA5]  }
0x29: {  	s4 =	sld [smem:$0x3FA7]  }
0x2a: {  	p0 =	seq.s32 s5, $0x0;
	s5 =	sld [smem:$0x3FA8]  }
0x2b: {  	s6 =	sld [smem:$0x3FA9]  }
0x2c: {  	s7 =	sld [smem:$0x3FAA]  }
0x2d: {  	s3 =	simm.s32 $0x108;
	s8 =	sld [smem:$0x3FAB]  }
0x2e: {  	s3 =	simm.s32 @!p0 $0x1082;
	s9 =	sld [smem:$0x3FAC]  }
0x2f: {  	lr =	sadd.s32 s0, s3;
	s0 =	sld [smem:$0x3FA3]  }
0x30: {  	s3 =	sld [smem:$0x3FA6]  }
0x31: {  	[smem:$0x3FAF] =	sst s10  }
0x32: {  	s10 =	sld [smem:$0x3FAD];
	_ =	sdelay $0x3  }
0x33: {  	p0 =	seq.s32 s10, $0x1;
	s10 =	sld [smem:$0x3FAF];
	_ =	sdelay $0x3  }
0x34: {  	[smem:$0x3FAF] =	sst s10  }
0x35: {  	s10 =	sld [smem:$0x3FAE];
	_ =	sdelay $0x3  }
0x36: {  	p1 =	seq.s32 s10, $0x1;
	s10 =	sld [smem:$0x3FAF];
	_ =	sdelay $0x3  }
0x37: {  	[smem:$0x3FAF] =	sst s10  }
0x38: {  	s10 =	sld [smem:$0x3FB0]  }
0x39: {  	_ = 	snop;
	(pc) =	sbr.ind lr, $3  }
0x3a: {  	_ = 	snop  }
0x3b: {  	_ = 	snop  }
0x3c: {  	p2 =	seq.s32 s10, $0x1;
	s10 =	sld [smem:$0x3FAF]  }
0x3d: {  	_ =	shalt  }
0x3e: {  	_ =	shalt  }
0x3f: {  	_ =	shalt  }
0x40: {  	_ =	shalt  }
0x41: {  	_ =	shalt  }
0x42: {  	_ =	shalt  }
0x43: {  	_ =	shalt  }
0x44: {  	_ =	shalt  }
0x45: {  	_ =	shalt  }
0x46: {  	_ =	shalt  }
0x47: {  	_ =	shalt  }
0x48: {  	_ =	shalt  }
0x49: {  	_ =	shalt  }
0x4a: {  	_ =	shalt  }
0x4b: {  	_ =	shalt  }
0x4c: {  	_ =	shalt  }
0x4d: {  	_ =	shalt  }
0x4e: {  	_ =	shalt  }
0x4f: {  	_ =	shalt  }
0x50: {  	_ =	shalt  }
0x51: {  	_ =	shalt  }
0x52: {  	_ =	shalt  }
0x53: {  	_ =	shalt  }
0x54: {  	_ =	shalt  }
0x55: {  	_ =	shalt  }
0x56: {  	_ =	shalt  }
0x57: {  	_ =	shalt  }
0x58: {  	_ =	shalt  }
0x59: {  	_ =	shalt  }
0x5a: {  	_ =	shalt  }
0x5b: {  	_ =	shalt  }
0x5c: {  	_ =	shalt  }
0x5d: {  	_ =	shalt  }
0x5e: {  	_ =	shalt  }
0x5f: {  	_ =	shalt  }
0x60: {  	_ =	shalt  }
0x61: {  	_ =	shalt  }
0x62: {  	_ =	shalt  }
0x63: {  	_ =	shalt  }
0x64: {  	_ =	shalt  }
0x65: {  	_ =	shalt  }
0x66: {  	_ =	shalt  }
0x67: {  	_ =	shalt  }
0x68: {  	_ =	shalt  }
0x69: {  	_ =	shalt  }
0x6a: {  	_ =	shalt  }
0x6b: {  	_ =	shalt  }
0x6c: {  	_ =	shalt  }
0x6d: {  	_ =	shalt  }
0x6e: {  	_ =	shalt  }
0x6f: {  	_ =	shalt  }
0x70: {  	_ =	shalt  }
0x71: {  	_ =	shalt  }
0x72: {  	_ =	shalt  }
0x73: {  	_ =	shalt  }
0x74: {  	_ =	shalt  }
0x75: {  	_ =	shalt  }
0x76: {  	_ =	shalt  }
0x77: {  	_ =	shalt  }
0x78: {  	_ =	shalt  }
0x79: {  	_ =	shalt  }
0x7a: {  	_ =	shalt  }
0x7b: {  	_ =	shalt  }
0x7c: {  	_ =	shalt  }
0x7d: {  	_ =	shalt  }
0x7e: {  	_ =	shalt  }
0x7f: {  	_ =	shalt  }
0x80: {  	_ =	shalt  }
0x81: {  	_ =	shalt  }
0x82: {  	_ =	shalt  }
0x83: {  	_ =	shalt  }
0x84: {  	_ =	shalt  }
0x85: {  	_ =	shalt  }
0x86: {  	_ =	shalt  }
0x87: {  	_ =	shalt  }
.Lfunc_end0:
.L_simem_size_0:
called_computation.1_lowered:
.L_overlay_start_0:
0x88: {  	s2 =	sld [smem:$0x3FD9]  }
0x89: {  	s3 =	sld [smem:$0x3FFE];
	_ =	sdelay $0x1  }
0x8a: {  	s1 =	srdreg.scid  }
0x8b: {  	s0 =	sand.u32 $0x1, s1  }
0x8c: {  	s18 =	sshll.u32 s0, $0xA;
	s2 =	sadd.s32 s3, s2  }
0x8d: {  	s2 =	sadd.s32 s2, s18  }
0x8e: {  	[smem:$0x3FBB] =	sst s2  }
0x8f: {  	_ = 	snop  }
0x90: {  	s19 =	sld [smem:$0x3FC9]  }
0x91: {  	s4 =	sld [smem:$0x3FD0];
	(tm) =	ssettm $0x1  }
0x92: {  	s20 =	sld [smem:$0x3FFB];
	_ =	sdelay $0x3  }
0x93: {  	_ =	strace s20  }
0x94: {  	s2 =	sld [smem:$0x3FFC];
	_ =	sdelay $0x3  }
0x95: {  	_ =	strace s2  }
0x96: {  	s2 =	sld [smem:$0x3FFD];
	_ =	sdelay $0x3  }
0x97: {  	_ =	strace s2  }
0x98: {  	_ =	strace $0x8FFFFFFF  }
0x99: {  	s21 =	sld [smem:$0x3FDB];
	_ =	sdelay $0x1  }
0x9a: {  	s5 =	simm.s32 $_scs_section_size  }
0x9b: {  	s6 =	simm.s32 $_size__tile_overlayer_lowered;
	s7 =	simm.s32 $_tile_overlayer_lowered  }
0x9c: {  	s8 =	simm.s32 $0x1BFF;
	s22 =	sshll.u32 s7, $0x1;
	s5 =	sadd.s32 s5, s21  }
0x9d: {  	s23 =	simm.s32 $0x0;
	s6 =	sshll.u32 s6, $0x1;
	s7 =	sadd.s32 s22, s5  }
0x9e: {  	[timem:s23], [sflag:s8] =	dma.local [hbm:s7], s6  }
0x9f: {  	_ =	swait.ge [sflag:s8], s6  }
0xa0: {  	s6 =	ssub.s32 $0x0, s6;
	[sflag:s8] =	ssyncset.done $0x0  }
0xa1: {  	[sflag:s8] =	ssyncadd.s32 s6;
	_ =	sdelay $0x1  }
0xa2: {  	s24 =	simm.s32 $0x1B8B  }
0xa3: {  	_ =	swait.ge [sflag:s24], $0x1  }
0xa4: {  	[sflag:s24] =	ssyncset.done $0x0  }
0xa5: {  	[sflag:s24] =	ssyncadd.s32 $0xFFFFFFFF  }
0xa6: {  	s6 =	sld [smem:$0x0]  }
0xa7: {  	s7 =	sand.u32 $0xFFFFFFFE, s1  }
0xa8: {  	p0 =	sne.s32 s1, s7  }
0xa9: {  	s7 =	sshll.u32 @p0 s7, $0xE  }
0xaa: {  	s7 =	sadd.s32 @p0 $0x11B8D, s7;
	s8 =	sshll.u32 @p0 s6, $0x11  }
0xab: {  	s7 =	sor.u32 @p0 s8, s7  }
0xac: {  	[sflag:s7] =	ssyncadd.remote.s32 @p0 $0x1;
	_ =	sdelay $0x1  }
0xad: {  	s7 =	simm.s32 @p0 $0x1B8D  }
0xae: {  	_ =	swait.eq @p0 [sflag:s7], $0x1  }
0xaf: {  	[sflag:s7] =	ssyncadd.s32 @p0 $0xFFFFFFFF  }
0xb0: {  	s8 =	sshll.u32 @!p0 s1, $0xE  }
0xb1: {  	s8 =	sor.u32 @!p0 $0x4000, s8;
	s7 =	simm.s32 @!p0 $0x1B8D  }
0xb2: {  	s6 =	sshll.u32 @!p0 s6, $0x11;
	s8 =	sadd.s32 @!p0 $0x11B8D, s8;
	_ =	swait.eq @!p0 [sflag:s7], $0x1  }
0xb3: {  	s6 =	sor.u32 @!p0 s6, s8;
	[sflag:s7] =	ssyncadd.s32 @!p0 $0xFFFFFFFF  }
0xb4: {  	s25 =	simm.s32 $0x1B8E;
	[sflag:s6] =	ssyncadd.remote.s32 @!p0 $0x1  }
0xb5: {  	s26 =	simm.s32 $execute0_lowered;
	[smem:$0x3FD2] =	sst s25  }
0xb6: {  	s6 =	sshll.u32 s26, $0x1;
	_ =	strace $0x80000049;
	[dreg:$0x1] =	wrdreg $0xFFFFFFFF  }
0xb7: {  	s28 =	simm.s32 $_size_execute0_lowered;
	s5 =	sadd.s32 s5, s6;
	[dreg:$0x0] =	wrdreg $0x0  }
0xb8: {  	s6 =	sshll.u32 s28, $0x1;
	[dreg:$0x2] =	wrdreg s5  }
0xb9: {  	[dreg:$0x3] =	wrdreg s6  }
0xba: {  	[dreg:$0x4] =	wrdreg $0xC0  }
0xbb: {  	_ =	task [dreg:s23], $0x5FFFF  }
0xbc: {  	[dreg:$0x1] =	wrdreg $0xFFFFFFFF  }
0xbd: {  	[dreg:$0x0] =	wrdreg $0x60  }
0xbe: {  	[dreg:$0x2] =	wrdreg s19  }
0xbf: {  	[dreg:$0x3] =	wrdreg s4  }
0xc0: {  	[dreg:$0x4] =	wrdreg $0xA  }
0xc1: {  	_ =	task.clear_ibuf [dreg:s23], $0x5FFFF;
	_ =	strace $0x90000049  }
0xc2: {  	s29 =	simm.s32 $0xA;
	_ =	strace $0x8000004B  }
0xc3: {  	_ =	swait.ge [sflag:s29], $0x1  }
0xc4: {  	[sflag:s29] =	ssyncadd.s32 $0xFFFFFFFF  }
0xc5: {  	_ =	strace $0x9000004B  }
0xc6: {  	_ =	sfence  }
0xc7: {  	s30 =	sld [smem:$0x0];
	_ =	sdelay $0x2  }
0xc8: {  	s31 =	sshll.u32 s1, $0xD;
	s1 =	sshrl.u32 s1, $0x2  }
0xc9: {  	s4 =	sand.u32 $0x4000, s31;
	s1 =	sadd.s32 s1, s30  }
0xca: {  	s0 =	sor.u32 s4, s0;
	s1 =	sshll.u32 s1, $0x11  }
0xcb: {  	s0 =	sor.u32 s1, s0  }
0xcc: {  	s0 =	sadd.s32 $0x8F2B, s0  }
0xcd: {  	[sflag:s0] =	ssyncadd.remote.s32 $0x1  }
0xce: {  	_ =	sfence.sel $0xFFFF  }
0xcf: {  	[dreg:$0x0] =	wrdreg $0xFFFFFFFF;
	(pc) =	sbr.abs _section_cstart, $3  }
0xd0: {  	[dreg:$0x1] =	wrdreg $0xFFFFFFFF  }
0xd1: {  	_ =	task.clear_ibuf [dreg:s23], $0x2FFFF;
	_ =	strace $0x9FFFFFFF  }
0xd2: {  	(tm) =	ssettm $0x7FFFFFFF  }
0xd3: {  	_ =	shalt  }
tec
execute0_lowered:
.L_overlay_start_1:
0x0: {  	(tag) =	ssettag $0x1  }
0x1: {  	s1 =	srdreg.scid  }
0x2: {  	s0 =	stileid.u32;
	s1 =	sand.u32 $0x1, s1  }
0x3: {  	s2 =	sshll.u32 s0, $0x8;
	s3 =	sshll.u32 s1, $0x7  }
0x4: {  	s29 =	rddreg [dreg:$0x0];
	s10 =	sor.u32 s3, s2  }
0x5: {  	[dreg:$0xd] =	wrdreg s1;
	s2 =	simm.s32 $0x0;
	s8 =	smul.u32 $0x300, s10  }
0x6: {  	[smem:$0x7FF] =	sst s2  }
0x7: {  	s31 =	rddreg [dreg:$0x1];
	_ =	strace $0x8000004A;
	s6 =	sadd.s32 s29, s8  }
0x8: {  	s4 =	sor.u32 $0x1800, s8;
	s9 =	sadd.s32 s31, s8;
	[dreg:$0x3] =	wrdreg s6  }
0x9: {  	s5 =	sor.u32 $0x3000, s8;
	s7 =	sadd.s32 s29, s4;
	[dreg:$0x5] =	wrdreg s9  }
0xa: {  	s11 =	sadd.s32 s29, s5;
	[dreg:$0x4] =	wrdreg s7  }
0xb: {  	s13 =	sor.u32 $0x4800, s8;
	s12 =	sadd.s32 s31, s4;
	[dreg:$0x6] =	wrdreg s11  }
0xc: {  	s14 =	sadd.s32 s29, s13;
	[dreg:$0x7] =	wrdreg s12  }
0xd: {  	s15 =	sadd.s32 s31, s5;
	[dreg:$0x8] =	wrdreg s14  }
0xe: {  	s16 =	sor.u32 $0x6000, s8;
	[dreg:$0x9] =	wrdreg s15  }
0xf: {  	s17 =	sadd.s32 s29, s16;
	s18 =	rddreg [dreg:$0x3]  }
0x10: {  	s19 =	sadd.s32 s31, s13;
	[dreg:$0xa] =	wrdreg s17  }
0x11: {  	[dreg:$0xb] =	wrdreg s19  }
0x12: {  	[tilespmem:s2], [sflag:$0x1] =	stream.linear.gather [hbm4b:s18+s2], $0xC000, $0x38;
	[tilespmem:$0x18000] =	vst v63  }
0x13: {  	s3 =	simm.s32 $0xC000;
	s4 =	simm.s32 $0x1;
	s6 =	rddreg [dreg:$0x4]  }
0x14: {  	[tilespmem:s3], [sflag:$0x2] =	stream.linear.gather [hbm4b:s6+s2], $0xC000, $0x38;
	[tilespmem:$0x18000] =	vst v63  }
0x15: {  	_ =	swait.ge [sflag:s4], $0xC000  }
0x16: {  	[sflag:s4] =	ssyncset.done $0x0  }
0x17: {  	s5 =	simm.s32 $0x3;
	s20 =	rddreg [dreg:$0x5];
	[sflag:s4] =	ssyncadd.s32 $0xFFFF4000  }
0x18: {  	[hbm4b:s20+s2] =	stream.linear.scatter [tilespmem:s2], [sflag:$0x3], $0xC000, $0x38;
	[tilespmem:$0x18000] =	vst v63  }
0x19: {  	_ =	swait.ge [sflag:s5], $0xC000  }
0x1a: {  	[sflag:s5] =	ssyncset.done $0x0  }
0x1b: {  	s6 =	simm.s32 $0x2;
	s7 =	rddreg [dreg:$0x6];
	[sflag:s5] =	ssyncadd.s32 $0xFFFF4000  }
0x1c: {  	[tilespmem:s2], [sflag:$0x1] =	stream.linear.gather [hbm4b:s7+s2], $0xC000, $0x38;
	[tilespmem:$0x18000] =	vst v63  }
0x1d: {  	_ =	swait.ge [sflag:s6], $0xC000  }
0x1e: {  	[sflag:s6] =	ssyncset.done $0x0  }
0x1f: {  	s7 =	simm.s32 $0x4;
	s11 =	rddreg [dreg:$0x7];
	[sflag:s6] =	ssyncadd.s32 $0xFFFF4000  }
0x20: {  	[hbm4b:s11+s2] =	stream.linear.scatter [tilespmem:s3], [sflag:$0x4], $0xC000, $0x38;
	[tilespmem:$0x18000] =	vst v63  }
0x21: {  	_ =	swait.ge [sflag:s7], $0xC000  }
0x22: {  	[sflag:s7] =	ssyncset.done $0x0  }
0x23: {  	s21 =	rddreg [dreg:$0x8];
	[sflag:s7] =	ssyncadd.s32 $0xFFFF4000  }
0x24: {  	[tilespmem:s3], [sflag:$0x2] =	stream.linear.gather [hbm4b:s21+s2], $0xC000, $0x38;
	[tilespmem:$0x18000] =	vst v63  }
0x25: {  	_ =	swait.ge [sflag:s4], $0xC000  }
0x26: {  	[sflag:s4] =	ssyncset.done $0x0  }
0x27: {  	s22 =	rddreg [dreg:$0x9];
	[sflag:s4] =	ssyncadd.s32 $0xFFFF4000  }
0x28: {  	[hbm4b:s22+s2] =	stream.linear.scatter [tilespmem:s2], [sflag:$0x3], $0xC000, $0x38;
	[tilespmem:$0x18000] =	vst v63  }
0x29: {  	_ =	swait.ge [sflag:s5], $0xC000  }
0x2a: {  	[sflag:s5] =	ssyncset.done $0x0  }
0x2b: {  	s23 =	rddreg [dreg:$0xa];
	[sflag:s5] =	ssyncadd.s32 $0xFFFF4000  }
0x2c: {  	[tilespmem:s2], [sflag:$0x1] =	stream.linear.gather [hbm4b:s23+s2], $0xC000, $0x38;
	[tilespmem:$0x18000] =	vst v63  }
0x2d: {  	_ =	swait.ge [sflag:s6], $0xC000  }
0x2e: {  	[sflag:s6] =	ssyncset.done $0x0  }
0x2f: {  	s24 =	rddreg [dreg:$0xb];
	[sflag:s6] =	ssyncadd.s32 $0xFFFF4000  }
0x30: {  	[hbm4b:s24+s2] =	stream.linear.scatter [tilespmem:s3], [sflag:$0x4], $0xC000, $0x38;
	[tilespmem:$0x18000] =	vst v63  }
0x31: {  	s25 =	sor.u32 $0x7800, s8;
	_ =	swait.ge [sflag:s7], $0xC000  }
0x32: {  	s26 =	sadd.s32 s29, s25;
	[sflag:s7] =	ssyncset.done $0x0  }
0x33: {  	[dreg:$0xc] =	wrdreg s26;
	[sflag:s7] =	ssyncadd.s32 $0xFFFF4000  }
0x34: {  	[tilespmem:s3], [sflag:$0x2] =	stream.linear.gather [hbm4b:s26+s2], $0xC000, $0x38;
	[tilespmem:$0x18000] =	vst v63  }
0x35: {  	_ =	swait.ge [sflag:s4], $0xC000  }
0x36: {  	[sflag:s4] =	ssyncset.done $0x0  }
0x37: {  	s10 =	smul.u32 $0x1800, s10;
	s0 =	sadd.s32 s31, s16;
	[sflag:s4] =	ssyncadd.s32 $0xFFFF4000  }
0x38: {  	[hbm4b:s0+s2] =	stream.linear.scatter [tilespmem:s2], [sflag:$0x3], $0xC000, $0x38;
	[tilespmem:$0x18000] =	vst v63  }
0x39: {  	s30 =	sshrl.u32 s10, $0x3;
	_ =	swait.ge [sflag:s5], $0xC000  }
0x3a: {  	s13 =	sadd.s32 $0x9000, s30;
	[sflag:s5] =	ssyncset.done $0x0  }
0x3b: {  	s10 =	sadd.s32 s29, s13;
	[sflag:s5] =	ssyncadd.s32 $0xFFFF4000  }
0x3c: {  	[tilespmem:s2], [sflag:$0x1] =	stream.linear.gather [hbm4b:s10+s2], $0xC000, $0x38;
	[tilespmem:$0x18000] =	vst v63  }
0x3d: {  	_ =	swait.ge [sflag:s6], $0xC000  }
0x3e: {  	[sflag:s6] =	ssyncset.done $0x0  }
0x3f: {  	s11 =	sadd.s32 s31, s25;
	[sflag:s6] =	ssyncadd.s32 $0xFFFF4000  }
0x40: {  	[hbm4b:s11+s2] =	stream.linear.scatter [tilespmem:s3], [sflag:$0x4], $0xC000, $0x38;
	[tilespmem:$0x18000] =	vst v63  }
0x41: {  	_ =	swait.ge [sflag:s7], $0xC000  }
0x42: {  	s15 =	sadd.s32 $0xA800, s30;
	[sflag:s7] =	ssyncset.done $0x0  }
0x43: {  	s12 =	sadd.s32 s29, s15;
	[sflag:s7] =	ssyncadd.s32 $0xFFFF4000  }
0x44: {  	[tilespmem:s3], [sflag:$0x2] =	stream.linear.gather [hbm4b:s12+s2], $0xC000, $0x38;
	[tilespmem:$0x18000] =	vst v63  }
0x45: {  	_ =	swait.ge [sflag:s4], $0xC000  }
0x46: {  	[sflag:s4] =	ssyncset.done $0x0  }
0x47: {  	s13 =	sadd.s32 s31, s13;
	[sflag:s4] =	ssyncadd.s32 $0xFFFF4000  }
0x48: {  	[hbm4b:s13+s2] =	stream.linear.scatter [tilespmem:s2], [sflag:$0x3], $0xC000, $0x38;
	[tilespmem:$0x18000] =	vst v63  }
0x49: {  	_ =	swait.ge [sflag:s5], $0xC000  }
0x4a: {  	s17 =	sadd.s32 $0xC000, s30;
	[sflag:s5] =	ssyncset.done $0x0  }
0x4b: {  	s14 =	sadd.s32 s29, s17;
	[sflag:s5] =	ssyncadd.s32 $0xFFFF4000  }
0x4c: {  	[tilespmem:s2], [sflag:$0x1] =	stream.linear.gather [hbm4b:s14+s2], $0xC000, $0x38;
	[tilespmem:$0x18000] =	vst v63  }
0x4d: {  	_ =	swait.ge [sflag:s6], $0xC000  }
0x4e: {  	[sflag:s6] =	ssyncset.done $0x0  }
0x4f: {  	s15 =	sadd.s32 s31, s15;
	[sflag:s6] =	ssyncadd.s32 $0xFFFF4000  }
0x50: {  	[hbm4b:s15+s2] =	stream.linear.scatter [tilespmem:s3], [sflag:$0x4], $0xC000, $0x38;
	[tilespmem:$0x18000] =	vst v63  }
0x51: {  	_ =	swait.ge [sflag:s7], $0xC000  }
0x52: {  	s19 =	sadd.s32 $0xD800, s30;
	[sflag:s7] =	ssyncset.done $0x0  }
0x53: {  	s16 =	sadd.s32 s29, s19;
	[sflag:s7] =	ssyncadd.s32 $0xFFFF4000  }
0x54: {  	[tilespmem:s3], [sflag:$0x2] =	stream.linear.gather [hbm4b:s16+s2], $0xC000, $0x38;
	[tilespmem:$0x18000] =	vst v63  }
0x55: {  	_ =	swait.ge [sflag:s4], $0xC000  }
0x56: {  	[sflag:s4] =	ssyncset.done $0x0  }
0x57: {  	s17 =	sadd.s32 s31, s17;
	[sflag:s4] =	ssyncadd.s32 $0xFFFF4000  }
0x58: {  	[hbm4b:s17+s2] =	stream.linear.scatter [tilespmem:s2], [sflag:$0x3], $0xC000, $0x38;
	[tilespmem:$0x18000] =	vst v63  }
0x59: {  	_ =	swait.ge [sflag:s5], $0xC000  }
0x5a: {  	s21 =	sadd.s32 $0xF000, s30;
	[sflag:s5] =	ssyncset.done $0x0  }
0x5b: {  	s18 =	sadd.s32 s29, s21;
	[sflag:s5] =	ssyncadd.s32 $0xFFFF4000  }
0x5c: {  	[tilespmem:s2], [sflag:$0x1] =	stream.linear.gather [hbm4b:s18+s2], $0xC000, $0x38;
	[tilespmem:$0x18000] =	vst v63  }
0x5d: {  	_ =	swait.ge [sflag:s6], $0xC000  }
0x5e: {  	[sflag:s6] =	ssyncset.done $0x0  }
0x5f: {  	s19 =	sadd.s32 s31, s19;
	[sflag:s6] =	ssyncadd.s32 $0xFFFF4000  }
0x60: {  	[hbm4b:s19+s2] =	stream.linear.scatter [tilespmem:s3], [sflag:$0x4], $0xC000, $0x38;
	[tilespmem:$0x18000] =	vst v63  }
0x61: {  	_ =	swait.ge [sflag:s7], $0xC000  }
0x62: {  	s23 =	sadd.s32 $0x10800, s30;
	[sflag:s7] =	ssyncset.done $0x0  }
0x63: {  	s20 =	sadd.s32 s29, s23;
	[sflag:s7] =	ssyncadd.s32 $0xFFFF4000  }
0x64: {  	[tilespmem:s3], [sflag:$0x2] =	stream.linear.gather [hbm4b:s20+s2], $0xC000, $0x38;
	[tilespmem:$0x18000] =	vst v63  }
0x65: {  	_ =	swait.ge [sflag:s4], $0xC000  }
0x66: {  	[sflag:s4] =	ssyncset.done $0x0  }
0x67: {  	s21 =	sadd.s32 s31, s21;
	[sflag:s4] =	ssyncadd.s32 $0xFFFF4000  }
0x68: {  	[hbm4b:s21+s2] =	stream.linear.scatter [tilespmem:s2], [sflag:$0x3], $0xC000, $0x38;
	[tilespmem:$0x18000] =	vst v63  }
0x69: {  	_ =	swait.ge [sflag:s5], $0xC000  }
0x6a: {  	s25 =	sadd.s32 $0x12000, s30;
	[sflag:s5] =	ssyncset.done $0x0  }
0x6b: {  	s22 =	sadd.s32 s29, s25;
	[sflag:s5] =	ssyncadd.s32 $0xFFFF4000  }
0x6c: {  	[tilespmem:s2], [sflag:$0x1] =	stream.linear.gather [hbm4b:s22+s2], $0xC000, $0x38;
	[tilespmem:$0x18000] =	vst v63  }
0x6d: {  	_ =	swait.ge [sflag:s6], $0xC000  }
0x6e: {  	[sflag:s6] =	ssyncset.done $0x0  }
0x6f: {  	s23 =	sadd.s32 s31, s23;
	[sflag:s6] =	ssyncadd.s32 $0xFFFF4000  }
0x70: {  	[hbm4b:s23+s2] =	stream.linear.scatter [tilespmem:s3], [sflag:$0x4], $0xC000, $0x38;
	[tilespmem:$0x18000] =	vst v63  }
0x71: {  	_ =	swait.ge [sflag:s7], $0xC000  }
0x72: {  	s28 =	sadd.s32 $0x13800, s30;
	[sflag:s7] =	ssyncset.done $0x0  }
0x73: {  	s24 =	sadd.s32 s29, s28;
	[sflag:s7] =	ssyncadd.s32 $0xFFFF4000  }
0x74: {  	[tilespmem:s3], [sflag:$0x2] =	stream.linear.gather [hbm4b:s24+s2], $0xC000, $0x38;
	[tilespmem:$0x18000] =	vst v63  }
0x75: {  	_ =	swait.ge [sflag:s4], $0xC000  }
0x76: {  	[sflag:s4] =	ssyncset.done $0x0  }
0x77: {  	s25 =	sadd.s32 s31, s25;
	[sflag:s4] =	ssyncadd.s32 $0xFFFF4000  }
0x78: {  	[hbm4b:s25+s2] =	stream.linear.scatter [tilespmem:s2], [sflag:$0x3], $0xC000, $0x38;
	[tilespmem:$0x18000] =	vst v63  }
0x79: {  	_ =	swait.ge [sflag:s5], $0xC000  }
0x7a: {  	s9 =	smov.u32 s0;
	s0 =	sadd.s32 $0x15000, s30;
	[sflag:s5] =	ssyncset.done $0x0  }
0x7b: {  	s26 =	sadd.s32 s29, s0;
	[sflag:s5] =	ssyncadd.s32 $0xFFFF4000  }
0x7c: {  	[tilespmem:s2], [sflag:$0x1] =	stream.linear.gather [hbm4b:s26+s2], $0xC000, $0x38;
	[tilespmem:$0x18000] =	vst v63  }
0x7d: {  	_ =	swait.ge [sflag:s6], $0xC000  }
0x7e: {  	[sflag:s6] =	ssyncset.done $0x0  }
0x7f: {  	s28 =	sadd.s32 s31, s28;
	[sflag:s6] =	ssyncadd.s32 $0xFFFF4000  }
0x80: {  	[hbm4b:s28+s2] =	stream.linear.scatter [tilespmem:s3], [sflag:$0x4], $0xC000, $0x38;
	[tilespmem:$0x18000] =	vst v63  }
0x81: {  	_ =	swait.ge [sflag:s7], $0xC000  }
0x82: {  	s8 =	sadd.s32 $0x16800, s30;
	[sflag:s7] =	ssyncset.done $0x0  }
0x83: {  	s29 =	sadd.s32 s29, s8;
	[sflag:s7] =	ssyncadd.s32 $0xFFFF4000  }
0x84: {  	[tilespmem:s3], [sflag:$0x2] =	stream.linear.gather [hbm4b:s29+s2], $0xC000, $0x38;
	[tilespmem:$0x18000] =	vst v63  }
0x85: {  	_ =	swait.ge [sflag:s4], $0xC000  }
0x86: {  	[sflag:s4] =	ssyncset.done $0x0  }
0x87: {  	s30 =	sadd.s32 s31, s0;
	[sflag:s4] =	ssyncadd.s32 $0xFFFF4000  }
0x88: {  	[hbm4b:s30+s2] =	stream.linear.scatter [tilespmem:s2], [sflag:$0x3], $0xC000, $0x38;
	[tilespmem:$0x18000] =	vst v63  }
0x89: {  	_ =	swait.ge [sflag:s6], $0xC000  }
0x8a: {  	[sflag:s6] =	ssyncset.done $0x0;
	s1 =	rddreg [dreg:$0xd]  }
0x8b: {  	s31 =	sadd.s32 s31, s8;
	s0 =	ssub.s32 $0x2, s1;
	[sflag:s6] =	ssyncadd.s32 $0xFFFF4000  }
0x8c: {  	[hbm4b:s31+s2] =	stream.linear.scatter [tilespmem:s3], [sflag:$0x4], $0xC000, $0x38;
	[tilespmem:$0x18000] =	vst v63  }
0x8d: {  	s8 =	sshrl.u32 s0, $0x1  }
0x8e: {  	s0 =	ssub.s32 s0, s8  }
0x8f: {  	s0 =	smax.u32 s0, $0x1  }
0x90: {  	p0 =	sne.s32 s0, $0x1  }
.Ltmp0:
0x91: {  	_ =	swait.ge [sflag:s5], $0xC000;
	(pc) =	sbr.rel @!p0 .LBB2_2-.Ltmp0, $4  }
0x92: {  	[sflag:s5] =	ssyncset.done $0x0  }
0x93: {  	[sflag:s5] =	ssyncadd.s32 $0xFFFF4000  }
0x94: {  	_ =	swait.ge [sflag:s7], $0xC000  }
0x95: {  	s1 =	sadd.s32 $0xFFFFFFFF, s0;
	[sflag:s7] =	ssyncset.done $0x0  }
.LBB2_1:
0x96: {  	s0 =	rddreg [dreg:$0x3];
	[sflag:s7] =	ssyncadd.s32 $0xFFFF4000  }
0x97: {  	[tilespmem:s2], [sflag:$0x1] =	stream.linear.gather [hbm4b:s0+s2], $0xC000, $0x38;
	[tilespmem:$0x18000] =	vst v63  }
0x98: {  	s8 =	rddreg [dreg:$0x4]  }
0x99: {  	[tilespmem:s3], [sflag:$0x2] =	stream.linear.gather [hbm4b:s8+s2], $0xC000, $0x38;
	[tilespmem:$0x18000] =	vst v63  }
0x9a: {  	_ =	swait.ge [sflag:s4], $0xC000  }
0x9b: {  	[sflag:s4] =	ssyncset.done $0x0  }
0x9c: {  	s8 =	rddreg [dreg:$0x5];
	[sflag:s4] =	ssyncadd.s32 $0xFFFF4000  }
0x9d: {  	[hbm4b:s8+s2] =	stream.linear.scatter [tilespmem:s2], [sflag:$0x3], $0xC000, $0x38;
	[tilespmem:$0x18000] =	vst v63  }
0x9e: {  	_ =	swait.ge [sflag:s5], $0xC000  }
0x9f: {  	[sflag:s5] =	ssyncset.done $0x0  }
0xa0: {  	s8 =	rddreg [dreg:$0x6];
	[sflag:s5] =	ssyncadd.s32 $0xFFFF4000  }
0xa1: {  	[tilespmem:s2], [sflag:$0x1] =	stream.linear.gather [hbm4b:s8+s2], $0xC000, $0x38;
	[tilespmem:$0x18000] =	vst v63  }
0xa2: {  	_ =	swait.ge [sflag:s6], $0xC000  }
0xa3: {  	[sflag:s6] =	ssyncset.done $0x0  }
0xa4: {  	s8 =	rddreg [dreg:$0x7];
	[sflag:s6] =	ssyncadd.s32 $0xFFFF4000  }
0xa5: {  	[hbm4b:s8+s2] =	stream.linear.scatter [tilespmem:s3], [sflag:$0x4], $0xC000, $0x38;
	[tilespmem:$0x18000] =	vst v63  }
0xa6: {  	_ =	swait.ge [sflag:s7], $0xC000  }
0xa7: {  	[sflag:s7] =	ssyncset.done $0x0  }
0xa8: {  	s8 =	rddreg [dreg:$0x8];
	[sflag:s7] =	ssyncadd.s32 $0xFFFF4000  }
0xa9: {  	[tilespmem:s3], [sflag:$0x2] =	stream.linear.gather [hbm4b:s8+s2], $0xC000, $0x38;
	[tilespmem:$0x18000] =	vst v63  }
0xaa: {  	_ =	swait.ge [sflag:s4], $0xC000  }
0xab: {  	[sflag:s4] =	ssyncset.done $0x0  }
0xac: {  	s8 =	rddreg [dreg:$0x9];
	[sflag:s4] =	ssyncadd.s32 $0xFFFF4000  }
0xad: {  	[hbm4b:s8+s2] =	stream.linear.scatter [tilespmem:s2], [sflag:$0x3], $0xC000, $0x38;
	[tilespmem:$0x18000] =	vst v63  }
0xae: {  	_ =	swait.ge [sflag:s5], $0xC000  }
0xaf: {  	[sflag:s5] =	ssyncset.done $0x0  }
0xb0: {  	s8 =	rddreg [dreg:$0xa];
	[sflag:s5] =	ssyncadd.s32 $0xFFFF4000  }
0xb1: {  	[tilespmem:s2], [sflag:$0x1] =	stream.linear.gather [hbm4b:s8+s2], $0xC000, $0x38;
	[tilespmem:$0x18000] =	vst v63  }
0xb2: {  	_ =	swait.ge [sflag:s6], $0xC000  }
0xb3: {  	[sflag:s6] =	ssyncset.done $0x0  }
0xb4: {  	s8 =	rddreg [dreg:$0xb];
	[sflag:s6] =	ssyncadd.s32 $0xFFFF4000  }
0xb5: {  	[hbm4b:s8+s2] =	stream.linear.scatter [tilespmem:s3], [sflag:$0x4], $0xC000, $0x38;
	[tilespmem:$0x18000] =	vst v63  }
0xb6: {  	_ =	swait.ge [sflag:s7], $0xC000  }
0xb7: {  	[sflag:s7] =	ssyncset.done $0x0  }
0xb8: {  	s8 =	rddreg [dreg:$0xc];
	[sflag:s7] =	ssyncadd.s32 $0xFFFF4000  }
0xb9: {  	[tilespmem:s3], [sflag:$0x2] =	stream.linear.gather [hbm4b:s8+s2], $0xC000, $0x38;
	[tilespmem:$0x18000] =	vst v63  }
0xba: {  	_ =	swait.ge [sflag:s4], $0xC000  }
0xbb: {  	[sflag:s4] =	ssyncset.done $0x0  }
0xbc: {  	[sflag:s4] =	ssyncadd.s32 $0xFFFF4000  }
0xbd: {  	[hbm4b:s9+s2] =	stream.linear.scatter [tilespmem:s2], [sflag:$0x3], $0xC000, $0x38;
	[tilespmem:$0x18000] =	vst v63  }
0xbe: {  	_ =	swait.ge [sflag:s5], $0xC000  }
0xbf: {  	[sflag:s5] =	ssyncset.done $0x0  }
0xc0: {  	[sflag:s5] =	ssyncadd.s32 $0xFFFF4000  }
0xc1: {  	[tilespmem:s2], [sflag:$0x1] =	stream.linear.gather [hbm4b:s10+s2], $0xC000, $0x38;
	[tilespmem:$0x18000] =	vst v63  }
0xc2: {  	_ =	swait.ge [sflag:s6], $0xC000  }
0xc3: {  	[sflag:s6] =	ssyncset.done $0x0  }
0xc4: {  	[sflag:s6] =	ssyncadd.s32 $0xFFFF4000  }
0xc5: {  	[hbm4b:s11+s2] =	stream.linear.scatter [tilespmem:s3], [sflag:$0x4], $0xC000, $0x38;
	[tilespmem:$0x18000] =	vst v63  }
0xc6: {  	_ =	swait.ge [sflag:s7], $0xC000  }
0xc7: {  	[sflag:s7] =	ssyncset.done $0x0  }
0xc8: {  	[sflag:s7] =	ssyncadd.s32 $0xFFFF4000  }
0xc9: {  	[tilespmem:s3], [sflag:$0x2] =	stream.linear.gather [hbm4b:s12+s2], $0xC000, $0x38;
	[tilespmem:$0x18000] =	vst v63  }
0xca: {  	_ =	swait.ge [sflag:s4], $0xC000  }
0xcb: {  	[sflag:s4] =	ssyncset.done $0x0  }
0xcc: {  	[sflag:s4] =	ssyncadd.s32 $0xFFFF4000  }
0xcd: {  	[hbm4b:s13+s2] =	stream.linear.scatter [tilespmem:s2], [sflag:$0x3], $0xC000, $0x38;
	[tilespmem:$0x18000] =	vst v63  }
0xce: {  	_ =	swait.ge [sflag:s5], $0xC000  }
0xcf: {  	[sflag:s5] =	ssyncset.done $0x0  }
0xd0: {  	[sflag:s5] =	ssyncadd.s32 $0xFFFF4000  }
0xd1: {  	[tilespmem:s2], [sflag:$0x1] =	stream.linear.gather [hbm4b:s14+s2], $0xC000, $0x38;
	[tilespmem:$0x18000] =	vst v63  }
0xd2: {  	_ =	swait.ge [sflag:s6], $0xC000  }
0xd3: {  	[sflag:s6] =	ssyncset.done $0x0  }
0xd4: {  	[sflag:s6] =	ssyncadd.s32 $0xFFFF4000  }
0xd5: {  	[hbm4b:s15+s2] =	stream.linear.scatter [tilespmem:s3], [sflag:$0x4], $0xC000, $0x38;
	[tilespmem:$0x18000] =	vst v63  }
0xd6: {  	_ =	swait.ge [sflag:s7], $0xC000  }
0xd7: {  	[sflag:s7] =	ssyncset.done $0x0  }
0xd8: {  	[sflag:s7] =	ssyncadd.s32 $0xFFFF4000  }
0xd9: {  	[tilespmem:s3], [sflag:$0x2] =	stream.linear.gather [hbm4b:s16+s2], $0xC000, $0x38;
	[tilespmem:$0x18000] =	vst v63  }
0xda: {  	_ =	swait.ge [sflag:s4], $0xC000  }
0xdb: {  	[sflag:s4] =	ssyncset.done $0x0  }
0xdc: {  	[sflag:s4] =	ssyncadd.s32 $0xFFFF4000  }
0xdd: {  	[hbm4b:s17+s2] =	stream.linear.scatter [tilespmem:s2], [sflag:$0x3], $0xC000, $0x38;
	[tilespmem:$0x18000] =	vst v63  }
0xde: {  	_ =	swait.ge [sflag:s5], $0xC000  }
0xdf: {  	[sflag:s5] =	ssyncset.done $0x0  }
0xe0: {  	[sflag:s5] =	ssyncadd.s32 $0xFFFF4000  }
0xe1: {  	[tilespmem:s2], [sflag:$0x1] =	stream.linear.gather [hbm4b:s18+s2], $0xC000, $0x38;
	[tilespmem:$0x18000] =	vst v63  }
0xe2: {  	_ =	swait.ge [sflag:s6], $0xC000  }
0xe3: {  	[sflag:s6] =	ssyncset.done $0x0  }
0xe4: {  	[sflag:s6] =	ssyncadd.s32 $0xFFFF4000  }
0xe5: {  	[hbm4b:s19+s2] =	stream.linear.scatter [tilespmem:s3], [sflag:$0x4], $0xC000, $0x38;
	[tilespmem:$0x18000] =	vst v63  }
0xe6: {  	_ =	swait.ge [sflag:s7], $0xC000  }
0xe7: {  	[sflag:s7] =	ssyncset.done $0x0  }
0xe8: {  	[sflag:s7] =	ssyncadd.s32 $0xFFFF4000  }
0xe9: {  	[tilespmem:s3], [sflag:$0x2] =	stream.linear.gather [hbm4b:s20+s2], $0xC000, $0x38;
	[tilespmem:$0x18000] =	vst v63  }
0xea: {  	_ =	swait.ge [sflag:s4], $0xC000  }
0xeb: {  	[sflag:s4] =	ssyncset.done $0x0  }
0xec: {  	[sflag:s4] =	ssyncadd.s32 $0xFFFF4000  }
0xed: {  	[hbm4b:s21+s2] =	stream.linear.scatter [tilespmem:s2], [sflag:$0x3], $0xC000, $0x38;
	[tilespmem:$0x18000] =	vst v63  }
0xee: {  	_ =	swait.ge [sflag:s5], $0xC000  }
0xef: {  	[sflag:s5] =	ssyncset.done $0x0  }
0xf0: {  	[sflag:s5] =	ssyncadd.s32 $0xFFFF4000  }
0xf1: {  	[tilespmem:s2], [sflag:$0x1] =	stream.linear.gather [hbm4b:s22+s2], $0xC000, $0x38;
	[tilespmem:$0x18000] =	vst v63  }
0xf2: {  	_ =	swait.ge [sflag:s6], $0xC000  }
0xf3: {  	[sflag:s6] =	ssyncset.done $0x0  }
0xf4: {  	[sflag:s6] =	ssyncadd.s32 $0xFFFF4000  }
0xf5: {  	[hbm4b:s23+s2] =	stream.linear.scatter [tilespmem:s3], [sflag:$0x4], $0xC000, $0x38;
	[tilespmem:$0x18000] =	vst v63  }
0xf6: {  	_ =	swait.ge [sflag:s7], $0xC000  }
0xf7: {  	[sflag:s7] =	ssyncset.done $0x0  }
0xf8: {  	[sflag:s7] =	ssyncadd.s32 $0xFFFF4000  }
0xf9: {  	[tilespmem:s3], [sflag:$0x2] =	stream.linear.gather [hbm4b:s24+s2], $0xC000, $0x38;
	[tilespmem:$0x18000] =	vst v63  }
0xfa: {  	_ =	swait.ge [sflag:s4], $0xC000  }
0xfb: {  	[sflag:s4] =	ssyncset.done $0x0  }
0xfc: {  	[sflag:s4] =	ssyncadd.s32 $0xFFFF4000  }
0xfd: {  	[hbm4b:s25+s2] =	stream.linear.scatter [tilespmem:s2], [sflag:$0x3], $0xC000, $0x38;
	[tilespmem:$0x18000] =	vst v63  }
0xfe: {  	_ =	swait.ge [sflag:s5], $0xC000  }
0xff: {  	[sflag:s5] =	ssyncset.done $0x0  }
0x100: {  	[sflag:s5] =	ssyncadd.s32 $0xFFFF4000  }
0x101: {  	[tilespmem:s2], [sflag:$0x1] =	stream.linear.gather [hbm4b:s26+s2], $0xC000, $0x38;
	[tilespmem:$0x18000] =	vst v63  }
0x102: {  	_ =	swait.ge [sflag:s6], $0xC000  }
0x103: {  	[sflag:s6] =	ssyncset.done $0x0  }
0x104: {  	[sflag:s6] =	ssyncadd.s32 $0xFFFF4000  }
0x105: {  	[hbm4b:s28+s2] =	stream.linear.scatter [tilespmem:s3], [sflag:$0x4], $0xC000, $0x38;
	[tilespmem:$0x18000] =	vst v63  }
0x106: {  	_ =	swait.ge [sflag:s7], $0xC000  }
0x107: {  	[sflag:s7] =	ssyncset.done $0x0  }
0x108: {  	[sflag:s7] =	ssyncadd.s32 $0xFFFF4000  }
0x109: {  	[tilespmem:s3], [sflag:$0x2] =	stream.linear.gather [hbm4b:s29+s2], $0xC000, $0x38;
	[tilespmem:$0x18000] =	vst v63  }
0x10a: {  	_ =	swait.ge [sflag:s4], $0xC000  }
0x10b: {  	[sflag:s4] =	ssyncset.done $0x0  }
0x10c: {  	[sflag:s4] =	ssyncadd.s32 $0xFFFF4000  }
0x10d: {  	[hbm4b:s30+s2] =	stream.linear.scatter [tilespmem:s2], [sflag:$0x3], $0xC000, $0x38;
	[tilespmem:$0x18000] =	vst v63  }
0x10e: {  	_ =	swait.ge [sflag:s6], $0xC000  }
0x10f: {  	[sflag:s6] =	ssyncset.done $0x0  }
0x110: {  	p0 =	sne.s32 s1, $0x1;
	[sflag:s6] =	ssyncadd.s32 $0xFFFF4000  }
0x111: {  	[hbm4b:s31+s2] =	stream.linear.scatter [tilespmem:s3], [sflag:$0x4], $0xC000, $0x38;
	[tilespmem:$0x18000] =	vst v63  }
.Ltmp1:
0x112: {  	_ =	swait.ge [sflag:s5], $0xC000;
	(pc) =	sbr.rel @p0 .LBB2_1-.Ltmp1, $4  }
0x113: {  	[sflag:s5] =	ssyncset.done $0x0  }
0x114: {  	[sflag:s5] =	ssyncadd.s32 $0xFFFF4000  }
0x115: {  	_ =	swait.ge [sflag:s7], $0xC000  }
0x116: {  	s1 =	sadd.s32 $0xFFFFFFFF, s1;
	[sflag:s7] =	ssyncset.done $0x0  }
.LBB2_2:
0x117: {  	[sflag:s7] =	ssyncadd.s32 $0xFFFF4000  }
0x118: {  	_ =	sfence.sel $0x180000  }
0x119: {  	[bflag:$0x0] =	sbarrier.arrive $0xFFFF  }
0x11a: {  	_ =	strace $0x9000004A  }
0x11b: {  	s0 =	stileid.u32;
	[bflag:$0x2] =	sbarrier.arrive $0xFFFF  }
0x11c: {  	p0 =	sne.s32 s0, $0x0;
	s0 =	rddreg [dreg:$0x2]  }
0x11d: {  	s0 =	sadd.s32 @!p0 $0x100000, s0  }
0x11e: {  	[sflag:s0] =	ssyncadd.tile.s32 @!p0 $0x1;
	_ =	shalt  }
.Lfunc_end2:
_tile_overlayer_lowered:
.L_overlay_start_2:
0x11f: {  	(tag) =	ssettag $0x2  }
0x120: {  	s0 =	rddreg [dreg:$0x0];
	s2 =	stileid.u32  }
0x121: {  	s1 =	rddreg [dreg:$0x1];
	p0 =	sne.s32 s2, $0x0  }
0x122: {  	s3 =	rddreg [dreg:$0x2];
	[bflag:$0x3] =	sbarrier.arrive $0xFFFF;
	s2 =	simm.s32 @!p0 $0x1C05  }
0x123: {  	[timem:s3], [sflag:s2] =	dma.local @!p0 [hbm:s0], s1  }
0x124: {  	s0 =	simm.s32 @!p0 $0x5  }
0x125: {  	_ =	swait.ge @!p0 [sflag:s0], s1  }
0x126: {  	s1 =	ssub.s32 @!p0 $0x0, s1;
	[sflag:s0] =	ssyncset.done @!p0 $0x0  }
0x127: {  	[sflag:s0] =	ssyncadd.s32 @!p0 s1  }
0x128: {  	[bflag:$0x3] =	sbarrier.arrive $0xFFFF  }
0x129: {  	_ =	shalt  }

// kernel: kernel.15.cloned.1.call-start
scs
__scs_entry_jumppad:
0x0: {  	(pc) =	sbr.rel $0x88, $3  }
0x1: {  	(tag) =	ssettag $0x0;
	lr =	simm.s32 $0x1  }
0x2: {  	[smem:$0x3F94] =	sst lr;
	_ =	strace $0xD0000000  }
0x3: {  	_ = 	snop  }
0x4: {  	_ = 	snop  }
0x5: {  	_ = 	snop  }
0x6: {  	_ = 	snop  }
0x7: {  	_ = 	snop  }
__scs_overlays_trampoline_lowered:
0x8: {  	[smem:$0x3FA3] =	sst s0  }
0x9: {  	[smem:$0x3FA4] =	sst s1  }
0xa: {  	[smem:$0x3FA5] =	sst s2  }
0xb: {  	[smem:$0x3FA6] =	sst s3  }
0xc: {  	[smem:$0x3FA7] =	sst s4  }
0xd: {  	[smem:$0x3FA8] =	sst s5  }
0xe: {  	[smem:$0x3FA9] =	sst s6  }
0xf: {  	[smem:$0x3FAA] =	sst s7  }
0x10: {  	[smem:$0x3FAB] =	sst s8  }
0x11: {  	[smem:$0x3FAC] =	sst s9;
	s0 =	simm.s32 @!p0 $0x0  }
0x12: {  	s1 =	sld [smem:$0x3F92];
	s0 =	simm.s32 @p0 $0x1  }
0x13: {  	[smem:$0x3FAD] =	sst s0;
	s0 =	simm.s32 @!p1 $0x0  }
0x14: {  	s2 =	sld [smem:$0x3F91];
	s0 =	simm.s32 @p1 $0x1  }
0x15: {  	[smem:$0x3FAE] =	sst s0;
	s0 =	simm.s32 @!p2 $0x0  }
0x16: {  	s3 =	sld [smem:$0x3FDB];
	s0 =	simm.s32 @p2 $0x1  }
0x17: {  	s4 =	simm.s32 $0x1BF5;
	[smem:$0x3FB0] =	sst s0  }
0x18: {  	s0 =	sld [smem:$0x3F93];
	_ =	swait.ge [sflag:s4], $0x0  }
0x19: {  	s7 =	sld [smem:$0x3F94]  }
0x1a: {  	s8 =	sadd.s32 $0xFFFFE003, lr  }
0x1b: {  	s9 =	sadd.s32 $0xFFFFFEF7, lr;
	s5 =	simm.s32 $0xFFFFFFFF;
	p2 =	slt.u32 s8, $0xFFFFF086  }
0x1c: {  	p1 =	slt.u32 s9, $0xF7A;
	s5 =	simm.s32 @!p2 $0x0  }
0x1d: {  	s5 =	simm.s32 @p1 $0x1;
	p0 =	seq.s32 s7, s2  }
0x1e: {  	s7 =	smul.u32 @!p0 $0xF7A, s2;
	p2 =	seq.s32 @!p0 s5, $0x0  }
0x1f: {  	s9 =	smul.u32 $0xF7A, s1;
	s8 =	simm.s32 @!p0 $0x1BF5;
	p2 =	por !p2, p0  }
0x20: {  	[sflag:s8] =	ssyncset.s32 @!p0 $0xFFFFF086;
	s6 =	sadd.s32 @!p0 s3, s7;
	s7 =	simm.s32 @!p0 $0x108  }
0x21: {  	s3 =	sadd.s32 s3, s9;
	s6 =	sadd.s32 @!p0 $0x88, s6;
	s7 =	simm.s32 @p2 $0x1082  }
0x22: {  	[simem:s7], [sflag:s8] =	dma.local @!p0 [hbm:s6], $0xF7A  }
0x23: {  	s9 =	sor.u32 $0xD0000000, s2;
	s6 =	simm.s32 $0x108;
	_ =	swait.ge @!p0 [sflag:s8], $0x0  }
0x24: {  	s3 =	sadd.s32 $0x88, s3;
	s6 =	simm.s32 @!p1 $0x1082;
	[sflag:s4] =	ssyncset.s32 $0xFFFFF086  }
0x25: {  	[simem:s6], [sflag:s4] =	dma.local [hbm:s3], $0xF7A  }
0x26: {  	[smem:$0x3F94] =	sst s1;
	(tag) =	ssettag s2;
	_ =	strace s9  }
0x27: {  	s1 =	sld [smem:$0x3FA4]  }
0x28: {  	s2 =	sld [smem:$0x3FA5]  }
0x29: {  	s4 =	sld [smem:$0x3FA7]  }
0x2a: {  	p0 =	seq.s32 s5, $0x0;
	s5 =	sld [smem:$0x3FA8]  }
0x2b: {  	s6 =	sld [smem:$0x3FA9]  }
0x2c: {  	s7 =	sld [smem:$0x3FAA]  }
0x2d: {  	s3 =	simm.s32 $0x108;
	s8 =	sld [smem:$0x3FAB]  }
0x2e: {  	s3 =	simm.s32 @!p0 $0x1082;
	s9 =	sld [smem:$0x3FAC]  }
0x2f: {  	lr =	sadd.s32 s0, s3;
	s0 =	sld [smem:$0x3FA3]  }
0x30: {  	s3 =	sld [smem:$0x3FA6]  }
0x31: {  	[smem:$0x3FAF] =	sst s10  }
0x32: {  	s10 =	sld [smem:$0x3FAD];
	_ =	sdelay $0x3  }
0x33: {  	p0 =	seq.s32 s10, $0x1;
	s10 =	sld [smem:$0x3FAF];
	_ =	sdelay $0x3  }
0x34: {  	[smem:$0x3FAF] =	sst s10  }
0x35: {  	s10 =	sld [smem:$0x3FAE];
	_ =	sdelay $0x3  }
0x36: {  	p1 =	seq.s32 s10, $0x1;
	s10 =	sld [smem:$0x3FAF];
	_ =	sdelay $0x3  }
0x37: {  	[smem:$0x3FAF] =	sst s10  }
0x38: {  	s10 =	sld [smem:$0x3FB0]  }
0x39: {  	_ = 	snop;
	(pc) =	sbr.ind lr, $3  }
0x3a: {  	_ = 	snop  }
0x3b: {  	_ = 	snop  }
0x3c: {  	p2 =	seq.s32 s10, $0x1;
	s10 =	sld [smem:$0x3FAF]  }
0x3d: {  	_ =	shalt  }
0x3e: {  	_ =	shalt  }
0x3f: {  	_ =	shalt  }
0x40: {  	_ =	shalt  }
0x41: {  	_ =	shalt  }
0x42: {  	_ =	shalt  }
0x43: {  	_ =	shalt  }
0x44: {  	_ =	shalt  }
0x45: {  	_ =	shalt  }
0x46: {  	_ =	shalt  }
0x47: {  	_ =	shalt  }
0x48: {  	_ =	shalt  }
0x49: {  	_ =	shalt  }
0x4a: {  	_ =	shalt  }
0x4b: {  	_ =	shalt  }
0x4c: {  	_ =	shalt  }
0x4d: {  	_ =	shalt  }
0x4e: {  	_ =	shalt  }
0x4f: {  	_ =	shalt  }
0x50: {  	_ =	shalt  }
0x51: {  	_ =	shalt  }
0x52: {  	_ =	shalt  }
0x53: {  	_ =	shalt  }
0x54: {  	_ =	shalt  }
0x55: {  	_ =	shalt  }
0x56: {  	_ =	shalt  }
0x57: {  	_ =	shalt  }
0x58: {  	_ =	shalt  }
0x59: {  	_ =	shalt  }
0x5a: {  	_ =	shalt  }
0x5b: {  	_ =	shalt  }
0x5c: {  	_ =	shalt  }
0x5d: {  	_ =	shalt  }
0x5e: {  	_ =	shalt  }
0x5f: {  	_ =	shalt  }
0x60: {  	_ =	shalt  }
0x61: {  	_ =	shalt  }
0x62: {  	_ =	shalt  }
0x63: {  	_ =	shalt  }
0x64: {  	_ =	shalt  }
0x65: {  	_ =	shalt  }
0x66: {  	_ =	shalt  }
0x67: {  	_ =	shalt  }
0x68: {  	_ =	shalt  }
0x69: {  	_ =	shalt  }
0x6a: {  	_ =	shalt  }
0x6b: {  	_ =	shalt  }
0x6c: {  	_ =	shalt  }
0x6d: {  	_ =	shalt  }
0x6e: {  	_ =	shalt  }
0x6f: {  	_ =	shalt  }
0x70: {  	_ =	shalt  }
0x71: {  	_ =	shalt  }
0x72: {  	_ =	shalt  }
0x73: {  	_ =	shalt  }
0x74: {  	_ =	shalt  }
0x75: {  	_ =	shalt  }
0x76: {  	_ =	shalt  }
0x77: {  	_ =	shalt  }
0x78: {  	_ =	shalt  }
0x79: {  	_ =	shalt  }
0x7a: {  	_ =	shalt  }
0x7b: {  	_ =	shalt  }
0x7c: {  	_ =	shalt  }
0x7d: {  	_ =	shalt  }
0x7e: {  	_ =	shalt  }
0x7f: {  	_ =	shalt  }
0x80: {  	_ =	shalt  }
0x81: {  	_ =	shalt  }
0x82: {  	_ =	shalt  }
0x83: {  	_ =	shalt  }
0x84: {  	_ =	shalt  }
0x85: {  	_ =	shalt  }
0x86: {  	_ =	shalt  }
0x87: {  	_ =	shalt  }
.Lfunc_end0:
.L_simem_size_0:
called_computation.2_lowered:
.L_overlay_start_0:
0x88: {  	s2 =	sld [smem:$0x3FD9]  }
0x89: {  	s3 =	sld [smem:$0x3FFE];
	_ =	sdelay $0x1  }
0x8a: {  	s1 =	srdreg.scid  }
0x8b: {  	s0 =	sand.u32 $0x1, s1  }
0x8c: {  	s17 =	sshll.u32 s0, $0xA;
	s2 =	sadd.s32 s3, s2  }
0x8d: {  	s2 =	sadd.s32 s2, s17  }
0x8e: {  	[smem:$0x3FBB] =	sst s2  }
0x8f: {  	_ = 	snop  }
0x90: {  	s2 =	sld [smem:$0x3FD0];
	(tm) =	ssettm $0x1  }
0x91: {  	s18 =	sld [smem:$0x3FFB];
	_ =	sdelay $0x3  }
0x92: {  	_ =	strace s18  }
0x93: {  	s3 =	sld [smem:$0x3FFC];
	_ =	sdelay $0x3  }
0x94: {  	_ =	strace s3  }
0x95: {  	s3 =	sld [smem:$0x3FFD];
	_ =	sdelay $0x3  }
0x96: {  	_ =	strace s3  }
0x97: {  	_ =	strace $0x8FFFFFFF  }
0x98: {  	s19 =	sld [smem:$0x3FDB];
	_ =	sdelay $0x1  }
0x99: {  	s4 =	simm.s32 $_scs_section_size  }
0x9a: {  	s5 =	simm.s32 $_size__tile_overlayer_lowered;
	s6 =	simm.s32 $_tile_overlayer_lowered  }
0x9b: {  	s22 =	simm.s32 $0x1BFF;
	s21 =	sshll.u32 s6, $0x1;
	s3 =	sadd.s32 s4, s19  }
0x9c: {  	s7 =	simm.s32 $0x0;
	s20 =	sshll.u32 s5, $0x1;
	s5 =	sadd.s32 s21, s3  }
0x9d: {  	[timem:s7], [sflag:s22] =	dma.local [hbm:s5], s20  }
0x9e: {  	_ =	swait.ge [sflag:s22], s20  }
0x9f: {  	s4 =	ssub.s32 $0x0, s20;
	[sflag:s22] =	ssyncset.done $0x0  }
0xa0: {  	[sflag:s22] =	ssyncadd.s32 s4;
	_ =	sdelay $0x1  }
0xa1: {  	s23 =	simm.s32 $0x1B8B  }
0xa2: {  	_ =	swait.ge [sflag:s23], $0x1  }
0xa3: {  	[sflag:s23] =	ssyncset.done $0x0  }
0xa4: {  	s25 =	simm.s32 $0x1B8E;
	s24 =	sld [smem:$0x3FFE];
	[sflag:s23] =	ssyncadd.s32 $0xFFFFFFFF  }
0xa5: {  	s26 =	simm.s32 $execute0_lowered;
	[smem:$0x3FD2] =	sst s25  }
0xa6: {  	s5 =	sshll.u32 s26, $0x1;
	_ =	strace $0x8000004C;
	[dreg:$0x1] =	wrdreg $0xFFFFFFFF  }
0xa7: {  	s28 =	simm.s32 $_size_execute0_lowered;
	s3 =	sadd.s32 s3, s5;
	[dreg:$0x0] =	wrdreg $0x0  }
0xa8: {  	s5 =	sshll.u32 s28, $0x1;
	[dreg:$0x2] =	wrdreg s3  }
0xa9: {  	[dreg:$0x3] =	wrdreg s5  }
0xaa: {  	[dreg:$0x4] =	wrdreg $0xC0  }
0xab: {  	_ =	task [dreg:s7], $0x5FFFF  }
0xac: {  	[dreg:$0x1] =	wrdreg $0xFFFFFFFF  }
0xad: {  	[dreg:$0x0] =	wrdreg $0x60  }
0xae: {  	[dreg:$0x2] =	wrdreg s24  }
0xaf: {  	[dreg:$0x3] =	wrdreg s2  }
0xb0: {  	[dreg:$0x4] =	wrdreg $0x9  }
0xb1: {  	_ =	task.clear_ibuf [dreg:s7], $0x5FFFF;
	_ =	strace $0x9000004C  }
0xb2: {  	s29 =	simm.s32 $0x9;
	_ =	strace $0x8000004E  }
0xb3: {  	_ =	swait.ge [sflag:s29], $0x1  }
0xb4: {  	[sflag:s29] =	ssyncadd.s32 $0xFFFFFFFF  }
0xb5: {  	_ =	strace $0x9000004E  }
0xb6: {  	_ =	sfence  }
0xb7: {  	s30 =	sld [smem:$0x0];
	_ =	sdelay $0x2  }
0xb8: {  	s31 =	sshll.u32 s1, $0xD;
	s1 =	sshrl.u32 s1, $0x2  }
0xb9: {  	s3 =	sand.u32 $0x4000, s31;
	s1 =	sadd.s32 s1, s30  }
0xba: {  	s0 =	sor.u32 s3, s0;
	s1 =	sshll.u32 s1, $0x11  }
0xbb: {  	s0 =	sor.u32 s1, s0  }
0xbc: {  	s0 =	sadd.s32 $0x8F2B, s0  }
0xbd: {  	[sflag:s0] =	ssyncadd.remote.s32 $0x1  }
0xbe: {  	_ =	sfence.sel $0xFFFF  }
0xbf: {  	[dreg:$0x0] =	wrdreg $0xFFFFFFFF;
	(pc) =	sbr.abs _section_cstart, $3  }
0xc0: {  	[dreg:$0x1] =	wrdreg $0xFFFFFFFF  }
0xc1: {  	_ =	task.clear_ibuf [dreg:s7], $0x2FFFF;
	_ =	strace $0x9FFFFFFF  }
0xc2: {  	(tm) =	ssettm $0x7FFFFFFF  }
0xc3: {  	_ =	shalt  }
tec
execute0_lowered:
.L_overlay_start_1:
0x0: {  	(tag) =	ssettag $0x1  }
0x1: {  	s1 =	srdreg.scid  }
0x2: {  	s0 =	stileid.u32;
	s4 =	rddreg [dreg:$0x0];
	s3 =	simm.s32 $0x0  }
0x3: {  	s1 =	sand.u32 $0x1, s1;
	s2 =	sshll.u32 s0, $0x1;
	[smem:$0x7FF] =	sst s3  }
0x4: {  	s11 =	simm.s32 $0x880;
	s5 =	sor.u32 s1, s2;
	s2 =	rddreg [dreg:$0x1]  }
0x5: {  	s12 =	simm.s32 $0x1080;
	_ =	strace $0x8000004D;
	[dreg:$0x5] =	wrdreg s11  }
0x6: {  	s13 =	simm.s32 $0x1880;
	[dreg:$0x6] =	wrdreg s12  }
0x7: {  	s14 =	simm.s32 $0x2080;
	[dreg:$0x7] =	wrdreg s13  }
0x8: {  	s15 =	simm.s32 $0x2880;
	[dreg:$0x8] =	wrdreg s14  }
0x9: {  	s16 =	simm.s32 $0x3080;
	[dreg:$0x9] =	wrdreg s15  }
0xa: {  	s17 =	simm.s32 $0x3880;
	[dreg:$0xa] =	wrdreg s16  }
0xb: {  	s18 =	simm.s32 $0x4080;
	[dreg:$0xb] =	wrdreg s17  }
0xc: {  	s19 =	simm.s32 $0x4880;
	[dreg:$0xc] =	wrdreg s18  }
0xd: {  	s21 =	simm.s32 $0x5080;
	[dreg:$0xd] =	wrdreg s19  }
0xe: {  	s22 =	simm.s32 $0x5880;
	s23 =	simm.s32 $0x6080;
	[dreg:$0xe] =	wrdreg s21  }
0xf: {  	s7 =	simm.s32 $0x6880;
	s24 =	simm.s32 $0x7080;
	[dreg:$0xf] =	wrdreg s22  }
0x10: {  	s25 =	simm.s32 $0x7880;
	s8 =	simm.s32 $0x80;
	[dreg:$0x10] =	wrdreg s23  }
0x11: {  	s26 =	simm.s32 $0x8080;
	s28 =	simm.s32 $0x11880;
	[dreg:$0x11] =	wrdreg s7  }
0x12: {  	s29 =	simm.s32 $0x12080;
	s30 =	simm.s32 $0x12880;
	[dreg:$0x12] =	wrdreg s24  }
0x13: {  	s31 =	simm.s32 $0x13080;
	s1 =	ssub.s32 $0x2, s1;
	[dreg:$0x13] =	wrdreg s25  }
0x14: {  	s7 =	simm.s32 $0x2;
	[dreg:$0x14] =	wrdreg s26;
	s11 =	simm.s32 $0x9880  }
0x15: {  	s12 =	simm.s32 $0xA080;
	s13 =	simm.s32 $0xA880;
	s14 =	simm.s32 $0xB080  }
0x16: {  	s15 =	simm.s32 $0xB880;
	s16 =	simm.s32 $0xC080;
	s17 =	simm.s32 $0xC880  }
0x17: {  	s18 =	simm.s32 $0xD080;
	s19 =	simm.s32 $0xD880;
	s21 =	simm.s32 $0xE880  }
0x18: {  	s22 =	simm.s32 $0xF080;
	s23 =	simm.s32 $0xF880;
	s6 =	smul.u32 $0xD, s5  }
0x19: {  	s24 =	simm.s32 $0x10080;
	s5 =	smul.u32 $0x2700, s5;
	s20 =	sshrl.u32 s1, $0x1  }
0x1a: {  	s25 =	simm.s32 $0x10880;
	s26 =	simm.s32 $0x11080;
	s1 =	ssub.s32 s1, s20  }
0x1b: {  	s20 =	simm.s32 $0xE080;
	s6 =	sadd.s32 s6, s4;
	s4 =	sadd.s32 s5, s4  }
0x1c: {  	v2 =	vlaneseq.u32;
	s5 =	sadd.s32 $0x200, s2;
	s10 =	sadd.s32 $0x1000, s6;
	s4 =	sadd.s32 $0x5CE00, s4  }
0x1d: {  	vm0 =	vmmov $0xffff;
	v1 =	vshrl.u32 v2, $0x3;
	s6 =	smax.u32 s1, $0x1;
	s1 =	simm.s32 $0x1;
	[dreg:$0x3] =	wrdreg s10  }
0x1e: {  	v0 =	vand.u32 $0x7, v2;
	v2 =	vor.u32 $0x8, v2;
	v1 =	vmul.u32 $0x8, v1;
	[dreg:$0x4] =	wrdreg s4;
	s4 =	sadd.s32 $0x100, s2;
	s10 =	simm.s32 $0x9080  }
.LBB2_1:
0x1f: {  	s0 =	rddreg [dreg:$0x3]  }
0x20: {  	[tilespmem:s3], [sflag:$0x2] =	stream.linear.gather [hbm4b:s0+s3], $0x68, $0x38;
	[tilespmem:$0x13880] =	vst v63  }
0x21: {  	_ =	swait.ge [sflag:s7], $0x68  }
0x22: {  	[sflag:s7] =	ssyncset.done $0x0  }
0x23: {  	s9 =	rddreg [dreg:$0x4];
	[sflag:s7] =	ssyncadd.s32 $0xFFFFFF98  }
0x24: {  	[tilespmem:s8], [sflag:$0x2] =	stream.linear.gather [hbm4b:s9+s3], $0x13800, $0x38;
	[tilespmem:$0x13880] =	vst v63  }
0x25: {  	_ =	swait.ge [sflag:s7], $0x13800  }
0x26: {  	[sflag:s7] =	ssyncset.done $0x0  }
0x27: {  	[sflag:s7] =	ssyncadd.s32 $0xFFFEC800  }
0x28: {  	v3 =	vld [tilespmem:$0x0];
	_ =	sdelay $0x4  }
0x29: {  	v4 =	vshrl.u32 v3, $0x3  }
0x2a: {  	v4 =	vmul.u32 $0x30, v4  }
0x2b: {  	v3 =	vand.u32 $0x7, v3  }
0x2c: {  	v3 =	vor.u32 v3, v4  }
0x2d: {  	v4 =	vperm.xlane v3, v0;
	_ =	sdelay $0x1  }
0x2e: {  	v4 =	vadd.s32 v1, v4;
	_ =	sdelay $0x3  }
0x2f: {  	v3 =	vperm.xlane v3, v2  }
0x30: {  	[hbm4b:s2+s3] =	stream.indirect_vreg.scatter [tilespmem:s8], [sflag:$0x1], $0x80, v4, vm0, $0xb8;
	[tilespmem:$0x13880] =	vst v63  }
0x31: {  	s0 =	rddreg [dreg:$0x5];
	v3 =	vadd.s32 v1, v3  }
0x32: {  	[hbm4b:s4+s3] =	stream.indirect_vreg.scatter [tilespmem:s0], [sflag:$0x1], $0x80, v4, vm0, $0xb8;
	[tilespmem:$0x13880] =	vst v63  }
0x33: {  	s9 =	rddreg [dreg:$0x6]  }
0x34: {  	[hbm4b:s5+s3] =	stream.indirect_vreg.scatter [tilespmem:s9], [sflag:$0x1], $0x80, v4, vm0, $0xb8;
	[tilespmem:$0x13880] =	vst v63  }
0x35: {  	s0 =	rddreg [dreg:$0x7]  }
0x36: {  	[hbm4b:s2+s3] =	stream.indirect_vreg.scatter [tilespmem:s0], [sflag:$0x1], $0x80, v3, vm0, $0xb8;
	[tilespmem:$0x13880] =	vst v63  }
0x37: {  	s9 =	rddreg [dreg:$0x8]  }
0x38: {  	[hbm4b:s4+s3] =	stream.indirect_vreg.scatter [tilespmem:s9], [sflag:$0x1], $0x80, v3, vm0, $0xb8;
	[tilespmem:$0x13880] =	vst v63  }
0x39: {  	s0 =	rddreg [dreg:$0x9]  }
0x3a: {  	[hbm4b:s5+s3] =	stream.indirect_vreg.scatter [tilespmem:s0], [sflag:$0x1], $0x80, v3, vm0, $0xb8;
	[tilespmem:$0x13880] =	vst v63  }
0x3b: {  	v3 =	vld [tilespmem:$0x10];
	_ =	sdelay $0x4  }
0x3c: {  	v58 =	vshrl.u32 v3, $0x3  }
0x3d: {  	v4 =	vmul.u32 $0x30, v58  }
0x3e: {  	v3 =	vand.u32 $0x7, v3  }
0x3f: {  	v3 =	vor.u32 v3, v4  }
0x40: {  	v4 =	vperm.xlane v3, v0;
	_ =	sdelay $0x1  }
0x41: {  	v4 =	vadd.s32 v1, v4;
	_ =	sdelay $0x3  }
0x42: {  	s0 =	rddreg [dreg:$0xa];
	v3 =	vperm.xlane v3, v2  }
0x43: {  	[hbm4b:s2+s3] =	stream.indirect_vreg.scatter [tilespmem:s0], [sflag:$0x1], $0x80, v4, vm0, $0xb8;
	[tilespmem:$0x13880] =	vst v63  }
0x44: {  	s9 =	rddreg [dreg:$0xb];
	v3 =	vadd.s32 v1, v3  }
0x45: {  	[hbm4b:s4+s3] =	stream.indirect_vreg.scatter [tilespmem:s9], [sflag:$0x1], $0x80, v4, vm0, $0xb8;
	[tilespmem:$0x13880] =	vst v63  }
0x46: {  	s0 =	rddreg [dreg:$0xc]  }
0x47: {  	[hbm4b:s5+s3] =	stream.indirect_vreg.scatter [tilespmem:s0], [sflag:$0x1], $0x80, v4, vm0, $0xb8;
	[tilespmem:$0x13880] =	vst v63  }
0x48: {  	s9 =	rddreg [dreg:$0xd]  }
0x49: {  	[hbm4b:s2+s3] =	stream.indirect_vreg.scatter [tilespmem:s9], [sflag:$0x1], $0x80, v3, vm0, $0xb8;
	[tilespmem:$0x13880] =	vst v63  }
0x4a: {  	s0 =	rddreg [dreg:$0xe]  }
0x4b: {  	[hbm4b:s4+s3] =	stream.indirect_vreg.scatter [tilespmem:s0], [sflag:$0x1], $0x80, v3, vm0, $0xb8;
	[tilespmem:$0x13880] =	vst v63  }
0x4c: {  	s9 =	rddreg [dreg:$0xf]  }
0x4d: {  	[hbm4b:s5+s3] =	stream.indirect_vreg.scatter [tilespmem:s9], [sflag:$0x1], $0x80, v3, vm0, $0xb8;
	[tilespmem:$0x13880] =	vst v63  }
0x4e: {  	v3 =	vld [tilespmem:$0x20];
	_ =	sdelay $0x4  }
0x4f: {  	v59 =	vshrl.u32 v3, $0x3  }
0x50: {  	v4 =	vmul.u32 $0x30, v59  }
0x51: {  	v3 =	vand.u32 $0x7, v3  }
0x52: {  	v3 =	vor.u32 v3, v4  }
0x53: {  	v4 =	vperm.xlane v3, v0;
	_ =	sdelay $0x1  }
0x54: {  	v4 =	vadd.s32 v1, v4;
	_ =	sdelay $0x3  }
0x55: {  	s0 =	rddreg [dreg:$0x10];
	v3 =	vperm.xlane v3, v2  }
0x56: {  	[hbm4b:s2+s3] =	stream.indirect_vreg.scatter [tilespmem:s0], [sflag:$0x1], $0x80, v4, vm0, $0xb8;
	[tilespmem:$0x13880] =	vst v63  }
0x57: {  	s9 =	rddreg [dreg:$0x11];
	v3 =	vadd.s32 v1, v3  }
0x58: {  	[hbm4b:s4+s3] =	stream.indirect_vreg.scatter [tilespmem:s9], [sflag:$0x1], $0x80, v4, vm0, $0xb8;
	[tilespmem:$0x13880] =	vst v63  }
0x59: {  	s0 =	rddreg [dreg:$0x12]  }
0x5a: {  	[hbm4b:s5+s3] =	stream.indirect_vreg.scatter [tilespmem:s0], [sflag:$0x1], $0x80, v4, vm0, $0xb8;
	[tilespmem:$0x13880] =	vst v63  }
0x5b: {  	s9 =	rddreg [dreg:$0x13]  }
0x5c: {  	[hbm4b:s2+s3] =	stream.indirect_vreg.scatter [tilespmem:s9], [sflag:$0x1], $0x80, v3, vm0, $0xb8;
	[tilespmem:$0x13880] =	vst v63  }
0x5d: {  	s0 =	rddreg [dreg:$0x14]  }
0x5e: {  	[hbm4b:s4+s3] =	stream.indirect_vreg.scatter [tilespmem:s0], [sflag:$0x1], $0x80, v3, vm0, $0xb8;
	[tilespmem:$0x13880] =	vst v63  }
0x5f: {  	s9 =	simm.s32 $0x8880  }
0x60: {  	[hbm4b:s5+s3] =	stream.indirect_vreg.scatter [tilespmem:s9], [sflag:$0x1], $0x80, v3, vm0, $0xb8;
	[tilespmem:$0x13880] =	vst v63  }
0x61: {  	v3 =	vld [tilespmem:$0x30];
	_ =	sdelay $0x4  }
0x62: {  	v60 =	vshrl.u32 v3, $0x3  }
0x63: {  	v4 =	vmul.u32 $0x30, v60  }
0x64: {  	v3 =	vand.u32 $0x7, v3  }
0x65: {  	v3 =	vor.u32 v3, v4  }
0x66: {  	v4 =	vperm.xlane v3, v0;
	_ =	sdelay $0x1  }
0x67: {  	v4 =	vadd.s32 v1, v4;
	_ =	sdelay $0x3  }
0x68: {  	v3 =	vperm.xlane v3, v2  }
0x69: {  	[hbm4b:s2+s3] =	stream.indirect_vreg.scatter [tilespmem:s10], [sflag:$0x1], $0x80, v4, vm0, $0xb8;
	[tilespmem:$0x13880] =	vst v63  }
0x6a: {  	v3 =	vadd.s32 v1, v3  }
0x6b: {  	[hbm4b:s4+s3] =	stream.indirect_vreg.scatter [tilespmem:s11], [sflag:$0x1], $0x80, v4, vm0, $0xb8;
	[tilespmem:$0x13880] =	vst v63  }
0x6c: {  	_ = 	snop  }
0x6d: {  	[hbm4b:s5+s3] =	stream.indirect_vreg.scatter [tilespmem:s12], [sflag:$0x1], $0x80, v4, vm0, $0xb8;
	[tilespmem:$0x13880] =	vst v63  }
0x6e: {  	_ = 	snop  }
0x6f: {  	[hbm4b:s2+s3] =	stream.indirect_vreg.scatter [tilespmem:s13], [sflag:$0x1], $0x80, v3, vm0, $0xb8;
	[tilespmem:$0x13880] =	vst v63  }
0x70: {  	_ = 	snop  }
0x71: {  	[hbm4b:s4+s3] =	stream.indirect_vreg.scatter [tilespmem:s14], [sflag:$0x1], $0x80, v3, vm0, $0xb8;
	[tilespmem:$0x13880] =	vst v63  }
0x72: {  	_ = 	snop  }
0x73: {  	[hbm4b:s5+s3] =	stream.indirect_vreg.scatter [tilespmem:s15], [sflag:$0x1], $0x80, v3, vm0, $0xb8;
	[tilespmem:$0x13880] =	vst v63  }
0x74: {  	v3 =	vld [tilespmem:$0x40];
	_ =	sdelay $0x4  }
0x75: {  	v61 =	vshrl.u32 v3, $0x3  }
0x76: {  	v4 =	vmul.u32 $0x30, v61  }
0x77: {  	v3 =	vand.u32 $0x7, v3  }
0x78: {  	v3 =	vor.u32 v3, v4  }
0x79: {  	v4 =	vperm.xlane v3, v0;
	_ =	sdelay $0x1  }
0x7a: {  	v4 =	vadd.s32 v1, v4;
	_ =	sdelay $0x3  }
0x7b: {  	v3 =	vperm.xlane v3, v2  }
0x7c: {  	[hbm4b:s2+s3] =	stream.indirect_vreg.scatter [tilespmem:s16], [sflag:$0x1], $0x80, v4, vm0, $0xb8;
	[tilespmem:$0x13880] =	vst v63  }
0x7d: {  	v3 =	vadd.s32 v1, v3  }
0x7e: {  	[hbm4b:s4+s3] =	stream.indirect_vreg.scatter [tilespmem:s17], [sflag:$0x1], $0x80, v4, vm0, $0xb8;
	[tilespmem:$0x13880] =	vst v63  }
0x7f: {  	_ = 	snop  }
0x80: {  	[hbm4b:s5+s3] =	stream.indirect_vreg.scatter [tilespmem:s18], [sflag:$0x1], $0x80, v4, vm0, $0xb8;
	[tilespmem:$0x13880] =	vst v63  }
0x81: {  	_ = 	snop  }
0x82: {  	[hbm4b:s2+s3] =	stream.indirect_vreg.scatter [tilespmem:s19], [sflag:$0x1], $0x80, v3, vm0, $0xb8;
	[tilespmem:$0x13880] =	vst v63  }
0x83: {  	_ = 	snop  }
0x84: {  	[hbm4b:s4+s3] =	stream.indirect_vreg.scatter [tilespmem:s20], [sflag:$0x1], $0x80, v3, vm0, $0xb8;
	[tilespmem:$0x13880] =	vst v63  }
0x85: {  	_ = 	snop  }
0x86: {  	[hbm4b:s5+s3] =	stream.indirect_vreg.scatter [tilespmem:s21], [sflag:$0x1], $0x80, v3, vm0, $0xb8;
	[tilespmem:$0x13880] =	vst v63  }
0x87: {  	v3 =	vld [tilespmem:$0x50];
	_ =	sdelay $0x4  }
0x88: {  	v62 =	vshrl.u32 v3, $0x3  }
0x89: {  	v4 =	vmul.u32 $0x30, v62  }
0x8a: {  	v3 =	vand.u32 $0x7, v3  }
0x8b: {  	v3 =	vor.u32 v3, v4  }
0x8c: {  	v4 =	vperm.xlane v3, v0;
	_ =	sdelay $0x1  }
0x8d: {  	v4 =	vadd.s32 v1, v4;
	_ =	sdelay $0x3  }
0x8e: {  	v3 =	vperm.xlane v3, v2  }
0x8f: {  	[hbm4b:s2+s3] =	stream.indirect_vreg.scatter [tilespmem:s22], [sflag:$0x1], $0x80, v4, vm0, $0xb8;
	[tilespmem:$0x13880] =	vst v63  }
0x90: {  	v3 =	vadd.s32 v1, v3  }
0x91: {  	[hbm4b:s4+s3] =	stream.indirect_vreg.scatter [tilespmem:s23], [sflag:$0x1], $0x80, v4, vm0, $0xb8;
	[tilespmem:$0x13880] =	vst v63  }
0x92: {  	_ = 	snop  }
0x93: {  	[hbm4b:s5+s3] =	stream.indirect_vreg.scatter [tilespmem:s24], [sflag:$0x1], $0x80, v4, vm0, $0xb8;
	[tilespmem:$0x13880] =	vst v63  }
0x94: {  	_ = 	snop  }
0x95: {  	[hbm4b:s2+s3] =	stream.indirect_vreg.scatter [tilespmem:s25], [sflag:$0x1], $0x80, v3, vm0, $0xb8;
	[tilespmem:$0x13880] =	vst v63  }
0x96: {  	_ = 	snop  }
0x97: {  	[hbm4b:s4+s3] =	stream.indirect_vreg.scatter [tilespmem:s26], [sflag:$0x1], $0x80, v3, vm0, $0xb8;
	[tilespmem:$0x13880] =	vst v63  }
0x98: {  	_ = 	snop  }
0x99: {  	[hbm4b:s5+s3] =	stream.indirect_vreg.scatter [tilespmem:s28], [sflag:$0x1], $0x80, v3, vm0, $0xb8;
	[tilespmem:$0x13880] =	vst v63  }
0x9a: {  	v3 =	vld.msk [tilespmem:$0x60], $0xff;
	_ =	sdelay $0x4  }
0x9b: {  	v63 =	vshrl.u32 v3, $0x3  }
0x9c: {  	v4 =	vmul.u32 $0x30, v63  }
0x9d: {  	v3 =	vand.u32 $0x7, v3  }
0x9e: {  	v3 =	vor.u32 v3, v4  }
0x9f: {  	v3 =	vperm.xlane v3, v0;
	_ =	sdelay $0x1  }
0xa0: {  	v3 =	vadd.s32 v1, v3;
	_ =	sdelay $0x4  }
0xa1: {  	[hbm4b:s2+s3] =	stream.indirect_vreg.scatter [tilespmem:s29], [sflag:$0x1], $0x80, v3, vm0, $0xb8;
	[tilespmem:$0x13880] =	vst v63  }
0xa2: {  	p0 =	sne.s32 s6, $0x1  }
0xa3: {  	[hbm4b:s4+s3] =	stream.indirect_vreg.scatter [tilespmem:s30], [sflag:$0x1], $0x80, v3, vm0, $0xb8;
	[tilespmem:$0x13880] =	vst v63  }
.Ltmp0:
0xa4: {  	_ = 	snop;
	(pc) =	sbr.rel @p0 .LBB2_1-.Ltmp0, $4  }
0xa5: {  	[hbm4b:s5+s3] =	stream.indirect_vreg.scatter [tilespmem:s31], [sflag:$0x1], $0x80, v3, vm0, $0xb8;
	[tilespmem:$0x13880] =	vst v63  }
0xa6: {  	_ =	swait.ge [sflag:s1], $0x13800  }
0xa7: {  	[sflag:s1] =	ssyncset.done $0x0  }
0xa8: {  	s6 =	sadd.s32 $0xFFFFFFFF, s6;
	[sflag:s1] =	ssyncadd.s32 $0xFFFEC800  }
0xa9: {  	_ =	sfence.sel $0x180000  }
0xaa: {  	[bflag:$0x0] =	sbarrier.arrive $0xFFFF  }
0xab: {  	_ =	strace $0x9000004D  }
0xac: {  	s0 =	stileid.u32;
	[bflag:$0x2] =	sbarrier.arrive $0xFFFF  }
0xad: {  	p0 =	sne.s32 s0, $0x0;
	s0 =	rddreg [dreg:$0x2]  }
0xae: {  	s0 =	sadd.s32 @!p0 $0x100000, s0  }
0xaf: {  	[sflag:s0] =	ssyncadd.tile.s32 @!p0 $0x1;
	_ =	shalt  }
.Lfunc_end2:
_tile_overlayer_lowered:
.L_overlay_start_2:
0xb0: {  	(tag) =	ssettag $0x2  }
0xb1: {  	s0 =	rddreg [dreg:$0x0];
	s2 =	stileid.u32  }
0xb2: {  	s1 =	rddreg [dreg:$0x1];
	p0 =	sne.s32 s2, $0x0  }
0xb3: {  	s3 =	rddreg [dreg:$0x2];
	[bflag:$0x3] =	sbarrier.arrive $0xFFFF;
	s2 =	simm.s32 @!p0 $0x1C02  }
0xb4: {  	[timem:s3], [sflag:s2] =	dma.local @!p0 [hbm:s0], s1  }
0xb5: {  	s0 =	simm.s32 @!p0 $0x2  }
0xb6: {  	_ =	swait.ge @!p0 [sflag:s0], s1  }
0xb7: {  	s1 =	ssub.s32 @!p0 $0x0, s1;
	[sflag:s0] =	ssyncset.done @!p0 $0x0  }
0xb8: {  	[sflag:s0] =	ssyncadd.s32 @!p0 s1  }
0xb9: {  	[bflag:$0x3] =	sbarrier.arrive $0xFFFF  }
0xba: {  	_ =	shalt  }

// kernel: kernel.9.cloned.1.call-start
scs
__scs_entry_jumppad:
0x0: {  	(pc) =	sbr.rel $0x88, $3  }
0x1: {  	(tag) =	ssettag $0x0;
	lr =	simm.s32 $0x1  }
0x2: {  	[smem:$0x3F94] =	sst lr;
	_ =	strace $0xD0000000  }
0x3: {  	_ = 	snop  }
0x4: {  	_ = 	snop  }
0x5: {  	_ = 	snop  }
0x6: {  	_ = 	snop  }
0x7: {  	_ = 	snop  }
__scs_overlays_trampoline_lowered:
0x8: {  	[smem:$0x3FA3] =	sst s0  }
0x9: {  	[smem:$0x3FA4] =	sst s1  }
0xa: {  	[smem:$0x3FA5] =	sst s2  }
0xb: {  	[smem:$0x3FA6] =	sst s3  }
0xc: {  	[smem:$0x3FA7] =	sst s4  }
0xd: {  	[smem:$0x3FA8] =	sst s5  }
0xe: {  	[smem:$0x3FA9] =	sst s6  }
0xf: {  	[smem:$0x3FAA] =	sst s7  }
0x10: {  	[smem:$0x3FAB] =	sst s8  }
0x11: {  	[smem:$0x3FAC] =	sst s9;
	s0 =	simm.s32 @!p0 $0x0  }
0x12: {  	s1 =	sld [smem:$0x3F92];
	s0 =	simm.s32 @p0 $0x1  }
0x13: {  	[smem:$0x3FAD] =	sst s0;
	s0 =	simm.s32 @!p1 $0x0  }
0x14: {  	s2 =	sld [smem:$0x3F91];
	s0 =	simm.s32 @p1 $0x1  }
0x15: {  	[smem:$0x3FAE] =	sst s0;
	s0 =	simm.s32 @!p2 $0x0  }
0x16: {  	s3 =	sld [smem:$0x3FDB];
	s0 =	simm.s32 @p2 $0x1  }
0x17: {  	s4 =	simm.s32 $0x1BF5;
	[smem:$0x3FB0] =	sst s0  }
0x18: {  	s0 =	sld [smem:$0x3F93];
	_ =	swait.ge [sflag:s4], $0x0  }
0x19: {  	s7 =	sld [smem:$0x3F94]  }
0x1a: {  	s8 =	sadd.s32 $0xFFFFE003, lr  }
0x1b: {  	s9 =	sadd.s32 $0xFFFFFEF7, lr;
	s5 =	simm.s32 $0xFFFFFFFF;
	p2 =	slt.u32 s8, $0xFFFFF086  }
0x1c: {  	p1 =	slt.u32 s9, $0xF7A;
	s5 =	simm.s32 @!p2 $0x0  }
0x1d: {  	s5 =	simm.s32 @p1 $0x1;
	p0 =	seq.s32 s7, s2  }
0x1e: {  	s7 =	smul.u32 @!p0 $0xF7A, s2;
	p2 =	seq.s32 @!p0 s5, $0x0  }
0x1f: {  	s9 =	smul.u32 $0xF7A, s1;
	s8 =	simm.s32 @!p0 $0x1BF5;
	p2 =	por !p2, p0  }
0x20: {  	[sflag:s8] =	ssyncset.s32 @!p0 $0xFFFFF086;
	s6 =	sadd.s32 @!p0 s3, s7;
	s7 =	simm.s32 @!p0 $0x108  }
0x21: {  	s3 =	sadd.s32 s3, s9;
	s6 =	sadd.s32 @!p0 $0x88, s6;
	s7 =	simm.s32 @p2 $0x1082  }
0x22: {  	[simem:s7], [sflag:s8] =	dma.local @!p0 [hbm:s6], $0xF7A  }
0x23: {  	s9 =	sor.u32 $0xD0000000, s2;
	s6 =	simm.s32 $0x108;
	_ =	swait.ge @!p0 [sflag:s8], $0x0  }
0x24: {  	s3 =	sadd.s32 $0x88, s3;
	s6 =	simm.s32 @!p1 $0x1082;
	[sflag:s4] =	ssyncset.s32 $0xFFFFF086  }
0x25: {  	[simem:s6], [sflag:s4] =	dma.local [hbm:s3], $0xF7A  }
0x26: {  	[smem:$0x3F94] =	sst s1;
	(tag) =	ssettag s2;
	_ =	strace s9  }
0x27: {  	s1 =	sld [smem:$0x3FA4]  }
0x28: {  	s2 =	sld [smem:$0x3FA5]  }
0x29: {  	s4 =	sld [smem:$0x3FA7]  }
0x2a: {  	p0 =	seq.s32 s5, $0x0;
	s5 =	sld [smem:$0x3FA8]  }
0x2b: {  	s6 =	sld [smem:$0x3FA9]  }
0x2c: {  	s7 =	sld [smem:$0x3FAA]  }
0x2d: {  	s3 =	simm.s32 $0x108;
	s8 =	sld [smem:$0x3FAB]  }
0x2e: {  	s3 =	simm.s32 @!p0 $0x1082;
	s9 =	sld [smem:$0x3FAC]  }
0x2f: {  	lr =	sadd.s32 s0, s3;
	s0 =	sld [smem:$0x3FA3]  }
0x30: {  	s3 =	sld [smem:$0x3FA6]  }
0x31: {  	[smem:$0x3FAF] =	sst s10  }
0x32: {  	s10 =	sld [smem:$0x3FAD];
	_ =	sdelay $0x3  }
0x33: {  	p0 =	seq.s32 s10, $0x1;
	s10 =	sld [smem:$0x3FAF];
	_ =	sdelay $0x3  }
0x34: {  	[smem:$0x3FAF] =	sst s10  }
0x35: {  	s10 =	sld [smem:$0x3FAE];
	_ =	sdelay $0x3  }
0x36: {  	p1 =	seq.s32 s10, $0x1;
	s10 =	sld [smem:$0x3FAF];
	_ =	sdelay $0x3  }
0x37: {  	[smem:$0x3FAF] =	sst s10  }
0x38: {  	s10 =	sld [smem:$0x3FB0]  }
0x39: {  	_ = 	snop;
	(pc) =	sbr.ind lr, $3  }
0x3a: {  	_ = 	snop  }
0x3b: {  	_ = 	snop  }
0x3c: {  	p2 =	seq.s32 s10, $0x1;
	s10 =	sld [smem:$0x3FAF]  }
0x3d: {  	_ =	shalt  }
0x3e: {  	_ =	shalt  }
0x3f: {  	_ =	shalt  }
0x40: {  	_ =	shalt  }
0x41: {  	_ =	shalt  }
0x42: {  	_ =	shalt  }
0x43: {  	_ =	shalt  }
0x44: {  	_ =	shalt  }
0x45: {  	_ =	shalt  }
0x46: {  	_ =	shalt  }
0x47: {  	_ =	shalt  }
0x48: {  	_ =	shalt  }
0x49: {  	_ =	shalt  }
0x4a: {  	_ =	shalt  }
0x4b: {  	_ =	shalt  }
0x4c: {  	_ =	shalt  }
0x4d: {  	_ =	shalt  }
0x4e: {  	_ =	shalt  }
0x4f: {  	_ =	shalt  }
0x50: {  	_ =	shalt  }
0x51: {  	_ =	shalt  }
0x52: {  	_ =	shalt  }
0x53: {  	_ =	shalt  }
0x54: {  	_ =	shalt  }
0x55: {  	_ =	shalt  }
0x56: {  	_ =	shalt  }
0x57: {  	_ =	shalt  }
0x58: {  	_ =	shalt  }
0x59: {  	_ =	shalt  }
0x5a: {  	_ =	shalt  }
0x5b: {  	_ =	shalt  }
0x5c: {  	_ =	shalt  }
0x5d: {  	_ =	shalt  }
0x5e: {  	_ =	shalt  }
0x5f: {  	_ =	shalt  }
0x60: {  	_ =	shalt  }
0x61: {  	_ =	shalt  }
0x62: {  	_ =	shalt  }
0x63: {  	_ =	shalt  }
0x64: {  	_ =	shalt  }
0x65: {  	_ =	shalt  }
0x66: {  	_ =	shalt  }
0x67: {  	_ =	shalt  }
0x68: {  	_ =	shalt  }
0x69: {  	_ =	shalt  }
0x6a: {  	_ =	shalt  }
0x6b: {  	_ =	shalt  }
0x6c: {  	_ =	shalt  }
0x6d: {  	_ =	shalt  }
0x6e: {  	_ =	shalt  }
0x6f: {  	_ =	shalt  }
0x70: {  	_ =	shalt  }
0x71: {  	_ =	shalt  }
0x72: {  	_ =	shalt  }
0x73: {  	_ =	shalt  }
0x74: {  	_ =	shalt  }
0x75: {  	_ =	shalt  }
0x76: {  	_ =	shalt  }
0x77: {  	_ =	shalt  }
0x78: {  	_ =	shalt  }
0x79: {  	_ =	shalt  }
0x7a: {  	_ =	shalt  }
0x7b: {  	_ =	shalt  }
0x7c: {  	_ =	shalt  }
0x7d: {  	_ =	shalt  }
0x7e: {  	_ =	shalt  }
0x7f: {  	_ =	shalt  }
0x80: {  	_ =	shalt  }
0x81: {  	_ =	shalt  }
0x82: {  	_ =	shalt  }
0x83: {  	_ =	shalt  }
0x84: {  	_ =	shalt  }
0x85: {  	_ =	shalt  }
0x86: {  	_ =	shalt  }
0x87: {  	_ =	shalt  }
.Lfunc_end0:
.L_simem_size_0:
called_computation_lowered:
.L_overlay_start_0:
0x88: {  	s2 =	sld [smem:$0x3FD9]  }
0x89: {  	s3 =	sld [smem:$0x3FFE];
	_ =	sdelay $0x1  }
0x8a: {  	s1 =	srdreg.scid  }
0x8b: {  	s0 =	sand.u32 $0x1, s1  }
0x8c: {  	s17 =	sshll.u32 s0, $0xA;
	s2 =	sadd.s32 s3, s2  }
0x8d: {  	s2 =	sadd.s32 s2, s17  }
0x8e: {  	[smem:$0x3FBB] =	sst s2  }
0x8f: {  	_ = 	snop  }
0x90: {  	s2 =	sld [smem:$0x3FC9];
	(tm) =	ssettm $0x1  }
0x91: {  	s18 =	sld [smem:$0x3FFB];
	_ =	sdelay $0x3  }
0x92: {  	_ =	strace s18  }
0x93: {  	s3 =	sld [smem:$0x3FFC];
	_ =	sdelay $0x3  }
0x94: {  	_ =	strace s3  }
0x95: {  	s3 =	sld [smem:$0x3FFD];
	_ =	sdelay $0x3  }
0x96: {  	_ =	strace s3  }
0x97: {  	_ =	strace $0x8FFFFFFF  }
0x98: {  	s19 =	sld [smem:$0x3FDB];
	_ =	sdelay $0x1  }
0x99: {  	s4 =	simm.s32 $_scs_section_size  }
0x9a: {  	s5 =	simm.s32 $_size__tile_overlayer_lowered;
	s6 =	simm.s32 $_tile_overlayer_lowered  }
0x9b: {  	s22 =	simm.s32 $0x1BFF;
	s21 =	sshll.u32 s6, $0x1;
	s3 =	sadd.s32 s4, s19  }
0x9c: {  	s7 =	simm.s32 $0x0;
	s20 =	sshll.u32 s5, $0x1;
	s5 =	sadd.s32 s21, s3  }
0x9d: {  	[timem:s7], [sflag:s22] =	dma.local [hbm:s5], s20  }
0x9e: {  	_ =	swait.ge [sflag:s22], s20  }
0x9f: {  	s4 =	ssub.s32 $0x0, s20;
	[sflag:s22] =	ssyncset.done $0x0  }
0xa0: {  	[sflag:s22] =	ssyncadd.s32 s4;
	_ =	sdelay $0x1  }
0xa1: {  	s23 =	simm.s32 $0x1B8B  }
0xa2: {  	_ =	swait.ge [sflag:s23], $0x1  }
0xa3: {  	[sflag:s23] =	ssyncset.done $0x0  }
0xa4: {  	s25 =	simm.s32 $0x1B8E;
	s24 =	sld [smem:$0x3FFE];
	[sflag:s23] =	ssyncadd.s32 $0xFFFFFFFF  }
0xa5: {  	s26 =	simm.s32 $execute0_lowered;
	[smem:$0x3FD2] =	sst s25  }
0xa6: {  	s5 =	sshll.u32 s26, $0x1;
	_ =	strace $0x80000046;
	[dreg:$0x1] =	wrdreg $0xFFFFFFFF  }
0xa7: {  	s28 =	simm.s32 $_size_execute0_lowered;
	s3 =	sadd.s32 s3, s5;
	[dreg:$0x0] =	wrdreg $0x0  }
0xa8: {  	s5 =	sshll.u32 s28, $0x1;
	[dreg:$0x2] =	wrdreg s3  }
0xa9: {  	[dreg:$0x3] =	wrdreg s5  }
0xaa: {  	[dreg:$0x4] =	wrdreg $0xC0  }
0xab: {  	_ =	task [dreg:s7], $0x5FFFF  }
0xac: {  	[dreg:$0x1] =	wrdreg $0xFFFFFFFF  }
0xad: {  	[dreg:$0x0] =	wrdreg $0x60  }
0xae: {  	[dreg:$0x2] =	wrdreg s2  }
0xaf: {  	[dreg:$0x3] =	wrdreg s24  }
0xb0: {  	[dreg:$0x4] =	wrdreg $0x9  }
0xb1: {  	_ =	task.clear_ibuf [dreg:s7], $0x5FFFF;
	_ =	strace $0x90000046  }
0xb2: {  	s29 =	simm.s32 $0x9;
	_ =	strace $0x80000048  }
0xb3: {  	_ =	swait.ge [sflag:s29], $0x1  }
0xb4: {  	[sflag:s29] =	ssyncadd.s32 $0xFFFFFFFF  }
0xb5: {  	_ =	strace $0x90000048  }
0xb6: {  	_ =	sfence  }
0xb7: {  	s30 =	sld [smem:$0x0];
	_ =	sdelay $0x2  }
0xb8: {  	s31 =	sshll.u32 s1, $0xD;
	s1 =	sshrl.u32 s1, $0x2  }
0xb9: {  	s3 =	sand.u32 $0x4000, s31;
	s1 =	sadd.s32 s1, s30  }
0xba: {  	s0 =	sor.u32 s3, s0;
	s1 =	sshll.u32 s1, $0x11  }
0xbb: {  	s0 =	sor.u32 s1, s0  }
0xbc: {  	s0 =	sadd.s32 $0x8F2B, s0  }
0xbd: {  	[sflag:s0] =	ssyncadd.remote.s32 $0x1  }
0xbe: {  	_ =	sfence.sel $0xFFFF  }
0xbf: {  	[dreg:$0x0] =	wrdreg $0xFFFFFFFF;
	(pc) =	sbr.abs _section_cstart, $3  }
0xc0: {  	[dreg:$0x1] =	wrdreg $0xFFFFFFFF  }
0xc1: {  	_ =	task.clear_ibuf [dreg:s7], $0x2FFFF;
	_ =	strace $0x9FFFFFFF  }
0xc2: {  	(tm) =	ssettm $0x7FFFFFFF  }
0xc3: {  	_ =	shalt  }
tec
execute0_lowered:
.L_overlay_start_1:
0x0: {  	(tag) =	ssettag $0x1  }
0x1: {  	s1 =	srdreg.scid;
	s0 =	stileid.u32  }
0x2: {  	s2 =	rddreg [dreg:$0x0];
	s1 =	sand.u32 $0x1, s1;
	s3 =	sshll.u32 s0, $0x1  }
0x3: {  	s5 =	rddreg [dreg:$0x1];
	s4 =	sor.u32 s1, s3;
	s3 =	simm.s32 $0x0  }
0x4: {  	s11 =	simm.s32 $0x880;
	[smem:$0x7FF] =	sst s3  }
0x5: {  	s12 =	simm.s32 $0x1080;
	_ =	strace $0x80000047;
	[dreg:$0x5] =	wrdreg s11  }
0x6: {  	s13 =	simm.s32 $0x1880;
	[dreg:$0x6] =	wrdreg s12  }
0x7: {  	s14 =	simm.s32 $0x2080;
	[dreg:$0x7] =	wrdreg s13  }
0x8: {  	s15 =	simm.s32 $0x2880;
	[dreg:$0x8] =	wrdreg s14  }
0x9: {  	s16 =	simm.s32 $0x3080;
	[dreg:$0x9] =	wrdreg s15  }
0xa: {  	s17 =	simm.s32 $0x3880;
	[dreg:$0xa] =	wrdreg s16  }
0xb: {  	s18 =	simm.s32 $0x4080;
	s19 =	simm.s32 $0x4880;
	[dreg:$0xb] =	wrdreg s17  }
0xc: {  	s21 =	simm.s32 $0x5080;
	s22 =	simm.s32 $0x5880;
	[dreg:$0xc] =	wrdreg s18  }
0xd: {  	s23 =	simm.s32 $0x6080;
	s7 =	simm.s32 $0x6880;
	[dreg:$0xd] =	wrdreg s19  }
0xe: {  	s24 =	simm.s32 $0x7080;
	s25 =	simm.s32 $0x7880;
	[dreg:$0xe] =	wrdreg s21  }
0xf: {  	s8 =	simm.s32 $0x80;
	s26 =	simm.s32 $0x8080;
	[dreg:$0xf] =	wrdreg s22  }
0x10: {  	s28 =	simm.s32 $0x11880;
	s29 =	simm.s32 $0x12080;
	[dreg:$0x10] =	wrdreg s23  }
0x11: {  	s30 =	simm.s32 $0x12880;
	s31 =	simm.s32 $0x13080;
	[dreg:$0x11] =	wrdreg s7  }
0x12: {  	s1 =	ssub.s32 $0x2, s1;
	s6 =	smul.u32 $0xD, s4;
	[dreg:$0x12] =	wrdreg s24  }
0x13: {  	s4 =	smul.u32 $0x2700, s4;
	s20 =	sshrl.u32 s1, $0x1;
	[dreg:$0x13] =	wrdreg s25  }
0x14: {  	s1 =	ssub.s32 s1, s20;
	s7 =	simm.s32 $0x2;
	[dreg:$0x14] =	wrdreg s26  }
0x15: {  	s11 =	simm.s32 $0x9880;
	s12 =	simm.s32 $0xA080;
	s13 =	simm.s32 $0xA880  }
0x16: {  	s14 =	simm.s32 $0xB080;
	s15 =	simm.s32 $0xB880;
	s16 =	simm.s32 $0xC080  }
0x17: {  	s17 =	simm.s32 $0xC880;
	s18 =	simm.s32 $0xD080;
	s19 =	simm.s32 $0xD880  }
0x18: {  	s20 =	simm.s32 $0xE080;
	s21 =	simm.s32 $0xE880;
	s22 =	simm.s32 $0xF080  }
0x19: {  	s23 =	simm.s32 $0xF880;
	s24 =	simm.s32 $0x10080;
	s25 =	simm.s32 $0x10880  }
0x1a: {  	s26 =	simm.s32 $0x11080;
	s6 =	sadd.s32 s6, s5;
	s4 =	sadd.s32 s4, s5  }
0x1b: {  	v2 =	vlaneseq.u32;
	s5 =	sadd.s32 $0x200, s2;
	s10 =	sadd.s32 $0x1000, s6;
	s4 =	sadd.s32 $0x1200, s4  }
0x1c: {  	vm0 =	vmmov $0xffff;
	v1 =	vshrl.u32 v2, $0x3;
	s6 =	smax.u32 s1, $0x1;
	s1 =	simm.s32 $0x1;
	[dreg:$0x3] =	wrdreg s10  }
0x1d: {  	v0 =	vand.u32 $0x7, v2;
	v2 =	vor.u32 $0x8, v2;
	v1 =	vmul.u32 $0x8, v1;
	[dreg:$0x4] =	wrdreg s4;
	s4 =	sadd.s32 $0x100, s2;
	s10 =	simm.s32 $0x9080  }
.LBB2_1:
0x1e: {  	s0 =	rddreg [dreg:$0x3]  }
0x1f: {  	[tilespmem:s3], [sflag:$0x2] =	stream.linear.gather [hbm4b:s0+s3], $0x68, $0x38;
	[tilespmem:$0x13880] =	vst v63  }
0x20: {  	_ =	swait.ge [sflag:s7], $0x68  }
0x21: {  	[sflag:s7] =	ssyncset.done $0x0  }
0x22: {  	[sflag:s7] =	ssyncadd.s32 $0xFFFFFF98  }
0x23: {  	v3 =	vld [tilespmem:$0x0];
	_ =	sdelay $0x4  }
0x24: {  	v4 =	vshrl.u32 v3, $0x3  }
0x25: {  	v4 =	vmul.u32 $0x30, v4  }
0x26: {  	v3 =	vand.u32 $0x7, v3  }
0x27: {  	v3 =	vor.u32 v3, v4  }
0x28: {  	v4 =	vperm.xlane v3, v0;
	_ =	sdelay $0x1  }
0x29: {  	v4 =	vadd.s32 v1, v4;
	_ =	sdelay $0x3  }
0x2a: {  	v3 =	vperm.xlane v3, v2  }
0x2b: {  	[tilespmem:s8], [sflag:$0x1] =	stream.indirect_vreg.gather [hbm4b:s2+s3], $0x80, v4, vm0, $0xb8;
	[tilespmem:$0x13880] =	vst v63  }
0x2c: {  	s0 =	rddreg [dreg:$0x5];
	v3 =	vadd.s32 v1, v3  }
0x2d: {  	[tilespmem:s0], [sflag:$0x1] =	stream.indirect_vreg.gather [hbm4b:s4+s3], $0x80, v4, vm0, $0xb8;
	[tilespmem:$0x13880] =	vst v63  }
0x2e: {  	s9 =	rddreg [dreg:$0x6]  }
0x2f: {  	[tilespmem:s9], [sflag:$0x1] =	stream.indirect_vreg.gather [hbm4b:s5+s3], $0x80, v4, vm0, $0xb8;
	[tilespmem:$0x13880] =	vst v63  }
0x30: {  	s0 =	rddreg [dreg:$0x7]  }
0x31: {  	[tilespmem:s0], [sflag:$0x1] =	stream.indirect_vreg.gather [hbm4b:s2+s3], $0x80, v3, vm0, $0xb8;
	[tilespmem:$0x13880] =	vst v63  }
0x32: {  	s9 =	rddreg [dreg:$0x8]  }
0x33: {  	[tilespmem:s9], [sflag:$0x1] =	stream.indirect_vreg.gather [hbm4b:s4+s3], $0x80, v3, vm0, $0xb8;
	[tilespmem:$0x13880] =	vst v63  }
0x34: {  	s0 =	rddreg [dreg:$0x9]  }
0x35: {  	[tilespmem:s0], [sflag:$0x1] =	stream.indirect_vreg.gather [hbm4b:s5+s3], $0x80, v3, vm0, $0xb8;
	[tilespmem:$0x13880] =	vst v63  }
0x36: {  	v3 =	vld [tilespmem:$0x10];
	_ =	sdelay $0x4  }
0x37: {  	v58 =	vshrl.u32 v3, $0x3  }
0x38: {  	v4 =	vmul.u32 $0x30, v58  }
0x39: {  	v3 =	vand.u32 $0x7, v3  }
0x3a: {  	v3 =	vor.u32 v3, v4  }
0x3b: {  	v4 =	vperm.xlane v3, v0;
	_ =	sdelay $0x1  }
0x3c: {  	v4 =	vadd.s32 v1, v4;
	_ =	sdelay $0x3  }
0x3d: {  	s0 =	rddreg [dreg:$0xa];
	v3 =	vperm.xlane v3, v2  }
0x3e: {  	[tilespmem:s0], [sflag:$0x1] =	stream.indirect_vreg.gather [hbm4b:s2+s3], $0x80, v4, vm0, $0xb8;
	[tilespmem:$0x13880] =	vst v63  }
0x3f: {  	s9 =	rddreg [dreg:$0xb];
	v3 =	vadd.s32 v1, v3  }
0x40: {  	[tilespmem:s9], [sflag:$0x1] =	stream.indirect_vreg.gather [hbm4b:s4+s3], $0x80, v4, vm0, $0xb8;
	[tilespmem:$0x13880] =	vst v63  }
0x41: {  	s0 =	rddreg [dreg:$0xc]  }
0x42: {  	[tilespmem:s0], [sflag:$0x1] =	stream.indirect_vreg.gather [hbm4b:s5+s3], $0x80, v4, vm0, $0xb8;
	[tilespmem:$0x13880] =	vst v63  }
0x43: {  	s9 =	rddreg [dreg:$0xd]  }
0x44: {  	[tilespmem:s9], [sflag:$0x1] =	stream.indirect_vreg.gather [hbm4b:s2+s3], $0x80, v3, vm0, $0xb8;
	[tilespmem:$0x13880] =	vst v63  }
0x45: {  	s0 =	rddreg [dreg:$0xe]  }
0x46: {  	[tilespmem:s0], [sflag:$0x1] =	stream.indirect_vreg.gather [hbm4b:s4+s3], $0x80, v3, vm0, $0xb8;
	[tilespmem:$0x13880] =	vst v63  }
0x47: {  	s9 =	rddreg [dreg:$0xf]  }
0x48: {  	[tilespmem:s9], [sflag:$0x1] =	stream.indirect_vreg.gather [hbm4b:s5+s3], $0x80, v3, vm0, $0xb8;
	[tilespmem:$0x13880] =	vst v63  }
0x49: {  	v3 =	vld [tilespmem:$0x20];
	_ =	sdelay $0x4  }
0x4a: {  	v59 =	vshrl.u32 v3, $0x3  }
0x4b: {  	v4 =	vmul.u32 $0x30, v59  }
0x4c: {  	v3 =	vand.u32 $0x7, v3  }
0x4d: {  	v3 =	vor.u32 v3, v4  }
0x4e: {  	v4 =	vperm.xlane v3, v0;
	_ =	sdelay $0x1  }
0x4f: {  	v4 =	vadd.s32 v1, v4;
	_ =	sdelay $0x3  }
0x50: {  	s0 =	rddreg [dreg:$0x10];
	v3 =	vperm.xlane v3, v2  }
0x51: {  	[tilespmem:s0], [sflag:$0x1] =	stream.indirect_vreg.gather [hbm4b:s2+s3], $0x80, v4, vm0, $0xb8;
	[tilespmem:$0x13880] =	vst v63  }
0x52: {  	s9 =	rddreg [dreg:$0x11];
	v3 =	vadd.s32 v1, v3  }
0x53: {  	[tilespmem:s9], [sflag:$0x1] =	stream.indirect_vreg.gather [hbm4b:s4+s3], $0x80, v4, vm0, $0xb8;
	[tilespmem:$0x13880] =	vst v63  }
0x54: {  	s0 =	rddreg [dreg:$0x12]  }
0x55: {  	[tilespmem:s0], [sflag:$0x1] =	stream.indirect_vreg.gather [hbm4b:s5+s3], $0x80, v4, vm0, $0xb8;
	[tilespmem:$0x13880] =	vst v63  }
0x56: {  	s9 =	rddreg [dreg:$0x13]  }
0x57: {  	[tilespmem:s9], [sflag:$0x1] =	stream.indirect_vreg.gather [hbm4b:s2+s3], $0x80, v3, vm0, $0xb8;
	[tilespmem:$0x13880] =	vst v63  }
0x58: {  	s0 =	rddreg [dreg:$0x14]  }
0x59: {  	[tilespmem:s0], [sflag:$0x1] =	stream.indirect_vreg.gather [hbm4b:s4+s3], $0x80, v3, vm0, $0xb8;
	[tilespmem:$0x13880] =	vst v63  }
0x5a: {  	s9 =	simm.s32 $0x8880  }
0x5b: {  	[tilespmem:s9], [sflag:$0x1] =	stream.indirect_vreg.gather [hbm4b:s5+s3], $0x80, v3, vm0, $0xb8;
	[tilespmem:$0x13880] =	vst v63  }
0x5c: {  	v3 =	vld [tilespmem:$0x30];
	_ =	sdelay $0x4  }
0x5d: {  	v60 =	vshrl.u32 v3, $0x3  }
0x5e: {  	v4 =	vmul.u32 $0x30, v60  }
0x5f: {  	v3 =	vand.u32 $0x7, v3  }
0x60: {  	v3 =	vor.u32 v3, v4  }
0x61: {  	v4 =	vperm.xlane v3, v0;
	_ =	sdelay $0x1  }
0x62: {  	v4 =	vadd.s32 v1, v4;
	_ =	sdelay $0x3  }
0x63: {  	v3 =	vperm.xlane v3, v2  }
0x64: {  	[tilespmem:s10], [sflag:$0x1] =	stream.indirect_vreg.gather [hbm4b:s2+s3], $0x80, v4, vm0, $0xb8;
	[tilespmem:$0x13880] =	vst v63  }
0x65: {  	v3 =	vadd.s32 v1, v3  }
0x66: {  	[tilespmem:s11], [sflag:$0x1] =	stream.indirect_vreg.gather [hbm4b:s4+s3], $0x80, v4, vm0, $0xb8;
	[tilespmem:$0x13880] =	vst v63  }
0x67: {  	_ = 	snop  }
0x68: {  	[tilespmem:s12], [sflag:$0x1] =	stream.indirect_vreg.gather [hbm4b:s5+s3], $0x80, v4, vm0, $0xb8;
	[tilespmem:$0x13880] =	vst v63  }
0x69: {  	_ = 	snop  }
0x6a: {  	[tilespmem:s13], [sflag:$0x1] =	stream.indirect_vreg.gather [hbm4b:s2+s3], $0x80, v3, vm0, $0xb8;
	[tilespmem:$0x13880] =	vst v63  }
0x6b: {  	_ = 	snop  }
0x6c: {  	[tilespmem:s14], [sflag:$0x1] =	stream.indirect_vreg.gather [hbm4b:s4+s3], $0x80, v3, vm0, $0xb8;
	[tilespmem:$0x13880] =	vst v63  }
0x6d: {  	_ = 	snop  }
0x6e: {  	[tilespmem:s15], [sflag:$0x1] =	stream.indirect_vreg.gather [hbm4b:s5+s3], $0x80, v3, vm0, $0xb8;
	[tilespmem:$0x13880] =	vst v63  }
0x6f: {  	v3 =	vld [tilespmem:$0x40];
	_ =	sdelay $0x4  }
0x70: {  	v61 =	vshrl.u32 v3, $0x3  }
0x71: {  	v4 =	vmul.u32 $0x30, v61  }
0x72: {  	v3 =	vand.u32 $0x7, v3  }
0x73: {  	v3 =	vor.u32 v3, v4  }
0x74: {  	v4 =	vperm.xlane v3, v0;
	_ =	sdelay $0x1  }
0x75: {  	v4 =	vadd.s32 v1, v4;
	_ =	sdelay $0x3  }
0x76: {  	v3 =	vperm.xlane v3, v2  }
0x77: {  	[tilespmem:s16], [sflag:$0x1] =	stream.indirect_vreg.gather [hbm4b:s2+s3], $0x80, v4, vm0, $0xb8;
	[tilespmem:$0x13880] =	vst v63  }
0x78: {  	v3 =	vadd.s32 v1, v3  }
0x79: {  	[tilespmem:s17], [sflag:$0x1] =	stream.indirect_vreg.gather [hbm4b:s4+s3], $0x80, v4, vm0, $0xb8;
	[tilespmem:$0x13880] =	vst v63  }
0x7a: {  	_ = 	snop  }
0x7b: {  	[tilespmem:s18], [sflag:$0x1] =	stream.indirect_vreg.gather [hbm4b:s5+s3], $0x80, v4, vm0, $0xb8;
	[tilespmem:$0x13880] =	vst v63  }
0x7c: {  	_ = 	snop  }
0x7d: {  	[tilespmem:s19], [sflag:$0x1] =	stream.indirect_vreg.gather [hbm4b:s2+s3], $0x80, v3, vm0, $0xb8;
	[tilespmem:$0x13880] =	vst v63  }
0x7e: {  	_ = 	snop  }
0x7f: {  	[tilespmem:s20], [sflag:$0x1] =	stream.indirect_vreg.gather [hbm4b:s4+s3], $0x80, v3, vm0, $0xb8;
	[tilespmem:$0x13880] =	vst v63  }
0x80: {  	_ = 	snop  }
0x81: {  	[tilespmem:s21], [sflag:$0x1] =	stream.indirect_vreg.gather [hbm4b:s5+s3], $0x80, v3, vm0, $0xb8;
	[tilespmem:$0x13880] =	vst v63  }
0x82: {  	v3 =	vld [tilespmem:$0x50];
	_ =	sdelay $0x4  }
0x83: {  	v62 =	vshrl.u32 v3, $0x3  }
0x84: {  	v4 =	vmul.u32 $0x30, v62  }
0x85: {  	v3 =	vand.u32 $0x7, v3  }
0x86: {  	v3 =	vor.u32 v3, v4  }
0x87: {  	v4 =	vperm.xlane v3, v0;
	_ =	sdelay $0x1  }
0x88: {  	v4 =	vadd.s32 v1, v4;
	_ =	sdelay $0x3  }
0x89: {  	v3 =	vperm.xlane v3, v2  }
0x8a: {  	[tilespmem:s22], [sflag:$0x1] =	stream.indirect_vreg.gather [hbm4b:s2+s3], $0x80, v4, vm0, $0xb8;
	[tilespmem:$0x13880] =	vst v63  }
0x8b: {  	v3 =	vadd.s32 v1, v3  }
0x8c: {  	[tilespmem:s23], [sflag:$0x1] =	stream.indirect_vreg.gather [hbm4b:s4+s3], $0x80, v4, vm0, $0xb8;
	[tilespmem:$0x13880] =	vst v63  }
0x8d: {  	_ = 	snop  }
0x8e: {  	[tilespmem:s24], [sflag:$0x1] =	stream.indirect_vreg.gather [hbm4b:s5+s3], $0x80, v4, vm0, $0xb8;
	[tilespmem:$0x13880] =	vst v63  }
0x8f: {  	_ = 	snop  }
0x90: {  	[tilespmem:s25], [sflag:$0x1] =	stream.indirect_vreg.gather [hbm4b:s2+s3], $0x80, v3, vm0, $0xb8;
	[tilespmem:$0x13880] =	vst v63  }
0x91: {  	_ = 	snop  }
0x92: {  	[tilespmem:s26], [sflag:$0x1] =	stream.indirect_vreg.gather [hbm4b:s4+s3], $0x80, v3, vm0, $0xb8;
	[tilespmem:$0x13880] =	vst v63  }
0x93: {  	_ = 	snop  }
0x94: {  	[tilespmem:s28], [sflag:$0x1] =	stream.indirect_vreg.gather [hbm4b:s5+s3], $0x80, v3, vm0, $0xb8;
	[tilespmem:$0x13880] =	vst v63  }
0x95: {  	v3 =	vld.msk [tilespmem:$0x60], $0xff;
	_ =	sdelay $0x4  }
0x96: {  	v63 =	vshrl.u32 v3, $0x3  }
0x97: {  	v4 =	vmul.u32 $0x30, v63  }
0x98: {  	v3 =	vand.u32 $0x7, v3  }
0x99: {  	v3 =	vor.u32 v3, v4  }
0x9a: {  	v3 =	vperm.xlane v3, v0;
	_ =	sdelay $0x1  }
0x9b: {  	v3 =	vadd.s32 v1, v3;
	_ =	sdelay $0x4  }
0x9c: {  	[tilespmem:s29], [sflag:$0x1] =	stream.indirect_vreg.gather [hbm4b:s2+s3], $0x80, v3, vm0, $0xb8;
	[tilespmem:$0x13880] =	vst v63  }
0x9d: {  	_ = 	snop  }
0x9e: {  	[tilespmem:s30], [sflag:$0x1] =	stream.indirect_vreg.gather [hbm4b:s4+s3], $0x80, v3, vm0, $0xb8;
	[tilespmem:$0x13880] =	vst v63  }
0x9f: {  	_ = 	snop  }
0xa0: {  	[tilespmem:s31], [sflag:$0x1] =	stream.indirect_vreg.gather [hbm4b:s5+s3], $0x80, v3, vm0, $0xb8;
	[tilespmem:$0x13880] =	vst v63  }
0xa1: {  	_ =	swait.ge [sflag:s1], $0x13800  }
0xa2: {  	p0 =	sne.s32 s6, $0x1;
	[sflag:s1] =	ssyncset.done $0x0  }
.Ltmp0:
0xa3: {  	s9 =	rddreg [dreg:$0x4];
	[sflag:s1] =	ssyncadd.s32 $0xFFFEC800;
	(pc) =	sbr.rel @p0 .LBB2_1-.Ltmp0, $4  }
0xa4: {  	[hbm4b:s9+s3] =	stream.linear.scatter [tilespmem:s8], [sflag:$0x2], $0x13800, $0x38;
	[tilespmem:$0x13880] =	vst v63  }
0xa5: {  	_ =	swait.ge [sflag:s7], $0x13800  }
0xa6: {  	[sflag:s7] =	ssyncset.done $0x0  }
0xa7: {  	s6 =	sadd.s32 $0xFFFFFFFF, s6;
	[sflag:s7] =	ssyncadd.s32 $0xFFFEC800  }
0xa8: {  	_ =	sfence.sel $0x180000  }
0xa9: {  	[bflag:$0x0] =	sbarrier.arrive $0xFFFF  }
0xaa: {  	_ =	strace $0x90000047  }
0xab: {  	s0 =	stileid.u32;
	[bflag:$0x2] =	sbarrier.arrive $0xFFFF  }
0xac: {  	p0 =	sne.s32 s0, $0x0;
	s0 =	rddreg [dreg:$0x2]  }
0xad: {  	s0 =	sadd.s32 @!p0 $0x100000, s0  }
0xae: {  	[sflag:s0] =	ssyncadd.tile.s32 @!p0 $0x1;
	_ =	shalt  }
.Lfunc_end2:
_tile_overlayer_lowered:
.L_overlay_start_2:
0xaf: {  	(tag) =	ssettag $0x2  }
0xb0: {  	s0 =	rddreg [dreg:$0x0];
	s2 =	stileid.u32  }
0xb1: {  	s1 =	rddreg [dreg:$0x1];
	p0 =	sne.s32 s2, $0x0  }
0xb2: {  	s3 =	rddreg [dreg:$0x2];
	[bflag:$0x3] =	sbarrier.arrive $0xFFFF;
	s2 =	simm.s32 @!p0 $0x1C02  }
0xb3: {  	[timem:s3], [sflag:s2] =	dma.local @!p0 [hbm:s0], s1  }
0xb4: {  	s0 =	simm.s32 @!p0 $0x2  }
0xb5: {  	_ =	swait.ge @!p0 [sflag:s0], s1  }
0xb6: {  	s1 =	ssub.s32 @!p0 $0x0, s1;
	[sflag:s0] =	ssyncset.done @!p0 $0x0  }
0xb7: {  	[sflag:s0] =	ssyncadd.s32 @!p0 s1  }
0xb8: {  	[bflag:$0x3] =	sbarrier.arrive $0xFFFF  }
0xb9: {  	_ =	shalt  }

</sc_bundles>
